<compile_context>
chip_gen: v7x
topology: tpu7x:2x2x1
jax: 0.10.2.dev20260603
libtpu: 0.0.44.dev20260713+nightly
codegen_flags: <defaults>
</compile_context>

<pallas_src>
import jax
import jax.numpy as jnp
from jax import lax
from jax.experimental import pallas as pl
from jax.experimental.pallas import tpu as pltpu
from jax.experimental.pallas import tpu_sc as plsc

N = 10000
E = 320000
D = 128
NC = 2
NS = 16
NW = NC * NS
N_PAD = 10240
E_PER_TILE = E // NW
K = 100
NCHUNK = E_PER_TILE // K
BX = 400

_sc_mesh = plsc.VectorSubcoreMesh(
    core_axis_name="c", subcore_axis_name="s", num_cores=NC, num_subcores=NS
)
_sc_params = pltpu.CompilerParams(needs_layout_passes=False)


def _hist_body(row_hbm, zi_hbm, hist_hbm, idxv, histv):
    cid = lax.axis_index("c")
    sid = lax.axis_index("s")
    wid = cid * NS + sid

    pltpu.sync_copy(zi_hbm, histv)
    pltpu.sync_copy(row_hbm.at[pl.ds(wid * E_PER_TILE, E_PER_TILE)], idxv)
    ones16 = jnp.ones((16,), jnp.int32)

    def ibody(j, cc):
        idx = idxv[pl.ds(j * 16, 16)]
        plsc.addupdate_scatter(histv, [idx], ones16)
        return cc

    lax.fori_loop(0, E_PER_TILE // 16, ibody, 0)
    pltpu.sync_copy(histv, hist_hbm.at[wid])


_hist_call = pl.kernel(
    _hist_body,
    out_type=jax.ShapeDtypeStruct((NW, N_PAD), jnp.int32),
    mesh=_sc_mesh,
    scratch_types=[
        pltpu.VMEM((E_PER_TILE,), jnp.int32),
        pltpu.VMEM((N_PAD,), jnp.int32),
    ],
    compiler_params=_sc_params,
)


def _prep_body(hist_ref, xp_ref, w_ref, xs_ref, dinv_ref):
    h = hist_ref[...].astype(jnp.float32)
    deg = 1.0 + jnp.sum(h, axis=0, keepdims=True)
    dr = lax.rsqrt(deg)
    dc = dr.reshape(1280, 1)
    xw = jnp.dot(xp_ref[...], w_ref[...], preferred_element_type=jnp.float32)
    xs_ref[...] = xw * dc
    dinv_ref[...] = dr.reshape(1, 1, 1280)


_prep_call = pl.pallas_call(
    _prep_body,
    grid=(N_PAD // 1280,),
    in_specs=[
        pl.BlockSpec((NW, 1280), lambda i: (0, i)),
        pl.BlockSpec((1280, D), lambda i: (i, 0)),
        pl.BlockSpec((D, D), lambda i: (0, 0)),
    ],
    out_specs=[
        pl.BlockSpec((1280, D), lambda i: (i, 0)),
        pl.BlockSpec((1, 1, 1280), lambda i: (i, 0, 0)),
    ],
    out_shape=[
        jax.ShapeDtypeStruct((N_PAD, D), jnp.float32),
        jax.ShapeDtypeStruct((N_PAD // 1280, 1, 1280), jnp.float32),
    ],
)


def _scatter_body(xs_hbm, idx_hbm, zeros_hbm, acc0_hbm, acc1_hbm,
                  i0, i1, i2, i3, bufA, bufB, acc_sh,
                  si0, si1, si2, si3, gA, gB):
    cid = lax.axis_index("c")
    sid = lax.axis_index("s")
    wid = cid * NS + sid

    ibufs = [i0, i1, i2, i3]
    isems = [si0, si1, si2, si3]
    dbufs = {0: bufA, 1: bufB}
    gsems = {0: gA, 1: gB}

    rows_per_tile = N_PAD // NS
    pltpu.sync_copy(zeros_hbm, acc_sh.at[pl.ds(sid * rows_per_tile, rows_per_tile)])
    plsc.subcore_barrier()

    def start_idx(c, k4):
        pltpu.async_copy(idx_hbm.at[wid, c], ibufs[k4], isems[k4])

    def wait_idx(k4):
        pltpu.make_async_copy(idx_hbm.at[wid, 0], ibufs[k4], isems[k4]).wait()

    def start_gather(k4, k2):
        wait_idx(k4)
        pltpu.async_copy(xs_hbm.at[ibufs[k4].at[0]], dbufs[k2], gsems[k2])

    def wait_gather(k2):
        pltpu.make_async_copy(xs_hbm.at[ibufs[0].at[0]], dbufs[k2],
                              gsems[k2]).wait()

    def scat(k4, k2):
        pltpu.sync_copy(dbufs[k2], acc_sh.at[ibufs[k4].at[1]], add=True)

    for c in range(4):
        start_idx(c, c)
    start_gather(0, 0)

    def step(c, k4, k2, prefetch, next_gather):
        if next_gather:
            start_gather((k4 + 1) % 4, k2 ^ 1)
        wait_gather(k2)
        scat(k4, k2)
        if prefetch:
            start_idx_c = c + 4
            start_idx(start_idx_c, k4)

    def body(j, carry):
        c0 = 4 * j
        for k in range(4):
            step(c0 + k, k, k % 2, True, True)
        return carry

    lax.fori_loop(0, NCHUNK // 4 - 1, body, 0)
    for k in range(4):
        step(NCHUNK - 4 + k, k, k % 2, False, k < 3)
    plsc.subcore_barrier()

    @pl.when(cid == 0)
    def _():
        pltpu.sync_copy(
            acc_sh.at[pl.ds(sid * rows_per_tile, rows_per_tile)],
            acc0_hbm.at[pl.ds(sid * rows_per_tile, rows_per_tile)],
        )

    @pl.when(cid == 1)
    def _():
        pltpu.sync_copy(
            acc_sh.at[pl.ds(sid * rows_per_tile, rows_per_tile)],
            acc1_hbm.at[pl.ds(sid * rows_per_tile, rows_per_tile)],
        )


_scatter_call = pl.kernel(
    _scatter_body,
    out_type=[
        jax.ShapeDtypeStruct((N_PAD, D), jnp.float32),
        jax.ShapeDtypeStruct((N_PAD, D), jnp.float32),
    ],
    mesh=_sc_mesh,
    scratch_types=(
        [pltpu.VMEM((2, K), jnp.int32)] * 4
        + [pltpu.VMEM((K, D), jnp.float32)] * 2
        + [pltpu.VMEM_SHARED((N_PAD, D), jnp.float32)]
        + [pltpu.SemaphoreType.DMA] * 6
    ),
    compiler_params=_sc_params,
)


def _fin_body(a0_ref, a1_ref, xs_ref, dv_ref, b_ref, o_ref):
    s = (a0_ref[...] + a1_ref[...] + xs_ref[...]) * dv_ref[...] + b_ref[...]
    o_ref[...] = jnp.maximum(s, 0.0)


_fin_call = pl.pallas_call(
    _fin_body,
    grid=(N // BX,),
    in_specs=[
        pl.BlockSpec((BX, D), lambda i: (i, 0)),
        pl.BlockSpec((BX, D), lambda i: (i, 0)),
        pl.BlockSpec((BX, D), lambda i: (i, 0)),
        pl.BlockSpec((BX, 1), lambda i: (i, 0)),
        pl.BlockSpec((1, D), lambda i: (0, 0)),
    ],
    out_specs=pl.BlockSpec((BX, D), lambda i: (i, 0)),
    out_shape=jax.ShapeDtypeStruct((N, D), jnp.float32),
)


def kernel(input_x, input_e, W, b):
    row = input_e[0]
    col = input_e[1]
    hist = _hist_call(row, jnp.zeros((N_PAD,), jnp.int32))
    x_pad = jnp.pad(input_x, ((0, N_PAD - N), (0, 0)))
    xs, dinv3 = _prep_call(hist, x_pad, W)
    dinvp = dinv3.reshape(N_PAD, 1)
    zeros = jnp.zeros((N_PAD // NS, D), jnp.float32)
    col3 = col.reshape(NW, NCHUNK, 1, K)
    row3 = row.reshape(NW, NCHUNK, 1, K)
    idx4 = jnp.concatenate([col3, row3], axis=2)
    acc0, acc1 = _scatter_call(xs, idx4, zeros)
    out = _fin_call(acc0, acc1, xs, dinvp, b.reshape(1, D))
    return out

# --- scband reference (transcript-rebuilt; emitter-appended) ---
"""Pipeline reference for scband-base-conv-heterogene-65549790872161 (READ-ONLY COPY).

The authoritative reference and input builder live on the scoring server;
editing this copy changes nothing except your own understanding.
"""

import jax, jax.numpy as jnp
import numpy as np

N_NODES = 10000
N_EDGES = 320000
D = 128

def setup_inputs(seed: int = 0) -> dict:
    key = jax.random.key(seed)
    k1, k2, k3, k4 = jax.random.split(key, 4)
    input_x = jax.random.normal(k1, (N_NODES, D), dtype=jnp.float32)
    input_e = jax.random.randint(k2, (2, N_EDGES), 0, N_NODES, dtype=jnp.int32)
    # GCNConv learned params: lin.weight (stored transposed as [in, out]) and bias
    W = jax.random.normal(k3, (D, D), dtype=jnp.float32) * 0.05
    b = jnp.zeros((D,), dtype=jnp.float32)
    return {"input_x": input_x, "input_e": input_e, "W": W, "b": b}

def reference(input_x, input_e, W, b):
    # BaseConvHeterogene with type='gcn', res=False, withbn=False:
    #   out = relu(GCNConv(input_x, input_e)) with flow='target_to_source'
    N = input_x.shape[0]
    x = input_x @ W  # linear transform (no bias inside lin; bias added post-aggregation)
    row = input_e[0]  # with flow='target_to_source': aggregate AT row, gather FROM col
    col = input_e[1]
    # add self-loops with fill_value = 1.0
    loop = jnp.arange(N, dtype=row.dtype)
    row_f = jnp.concatenate([row, loop])
    col_f = jnp.concatenate([col, loop])
    edge_weight = jnp.ones((row_f.shape[0],), dtype=x.dtype)
    # gcn_norm: deg indexed by row for flow='target_to_source'
    deg = jax.ops.segment_sum(edge_weight, row_f, num_segments=N)
    deg_inv_sqrt = jnp.where(deg > 0, deg ** -0.5, 0.0)
    norm = deg_inv_sqrt[row_f] * edge_weight * deg_inv_sqrt[col_f]
    # message = x_j * norm, x_j gathered from col (target_to_source), scatter-add at row
    msg = x[col_f] * norm[:, None]
    out = jax.ops.segment_sum(msg, row_f, num_segments=N)
    out = out + b
    return jax.nn.relu(out)

if __name__ == "__main__":
    import jax
    _d = setup_inputs()
    print(jax.jit(kernel)(*tuple(_d.values())))

</pallas_src>

<mosaic_0001>
#map = affine_map<(d0, d1) -> (0)>
#map1 = affine_map<(d0, d1) -> (0, 0)>
module attributes {stable_mosaic.version = 14 : i64} {
  func.func @_hist_body(%arg0: i32, %arg1: i32, %arg2: memref<320000xi32, #tpu.memory_space<hbm>>, %arg3: memref<10240xi32, #tpu.memory_space<hbm>>, %arg4: memref<32x10240xi32, #tpu.memory_space<hbm>>, %arg5: memref<10000xi32, #tpu.memory_space<vmem>>, %arg6: memref<10240xi32, #tpu.memory_space<vmem>>) attributes {dimension_semantics = [#tpu.dimension_semantics<core_parallel>, #tpu.dimension_semantics<subcore_parallel>], iteration_bounds = array<i64: 2, 16>, scalar_prefetch = 0 : i64, scratch_operands = 2 : i64, tpu.core_type = #tpu.core_type<sc_vector_subcore>, window_params = [{transform_indices = #map}, {transform_indices = #map}, {transform_indices = #map1}]} {
    %mul3A = arith.constant 16 : i32
    %mul3A_0 = arith.muli %arg0, %mul3A : i32
    %add3A = arith.addi %mul3A_0, %arg1 : i32
    "tpu.region"() ({
      %run_scoped3A = tpu.sem_alloc : memref<!tpu.dma_semaphore, #tpu.memory_space<semaphore_mem>>
      tpu.enqueue_dma source(%arg3 : memref<10240xi32, #tpu.memory_space<hbm>>) target(%arg6 : memref<10240xi32, #tpu.memory_space<vmem>>) target_semaphore(%run_scoped3A : memref<!tpu.dma_semaphore, #tpu.memory_space<semaphore_mem>>)
      tpu.wait_dma2 semaphore(%run_scoped3A : memref<!tpu.dma_semaphore, #tpu.memory_space<semaphore_mem>>) src(%arg3 : memref<10240xi32, #tpu.memory_space<hbm>>) dst(%arg6 : memref<10240xi32, #tpu.memory_space<vmem>>)
      tpu.yield
    }) : () -> ()
    %mul3A_1 = arith.constant 10000 : i32
    %mul3A_2 = arith.muli %add3A, %mul3A_1 : i32
    "tpu.region"() ({
      %run_scoped3A = tpu.sem_alloc : memref<!tpu.dma_semaphore, #tpu.memory_space<semaphore_mem>>
      %dma_start3A = tpu.memref_slice %arg2[%mul3A_2] : memref<320000xi32, #tpu.memory_space<hbm>> -> memref<10000xi32, #tpu.memory_space<hbm>>
      %dma_start3A_9 = tpu.memref_slice %arg2[%mul3A_2] : memref<320000xi32, #tpu.memory_space<hbm>> -> memref<10000xi32, #tpu.memory_space<hbm>>
      tpu.enqueue_dma source(%dma_start3A_9 : memref<10000xi32, #tpu.memory_space<hbm>>) target(%arg5 : memref<10000xi32, #tpu.memory_space<vmem>>) target_semaphore(%run_scoped3A : memref<!tpu.dma_semaphore, #tpu.memory_space<semaphore_mem>>)
      %dma_wait3A = tpu.memref_slice %arg2[%mul3A_2] : memref<320000xi32, #tpu.memory_space<hbm>> -> memref<10000xi32, #tpu.memory_space<hbm>>
      %dma_wait3A_10 = tpu.memref_slice %arg2[%mul3A_2] : memref<320000xi32, #tpu.memory_space<hbm>> -> memref<10000xi32, #tpu.memory_space<hbm>>
      tpu.wait_dma2 semaphore(%run_scoped3A : memref<!tpu.dma_semaphore, #tpu.memory_space<semaphore_mem>>) src(%dma_wait3A_10 : memref<10000xi32, #tpu.memory_space<hbm>>) dst(%arg5 : memref<10000xi32, #tpu.memory_space<vmem>>)
      tpu.yield
    }) : () -> ()
    %broadcast_in_dim3A = arith.constant 1 : i32
    %broadcast_in_dim3A_3 = vector.broadcast %broadcast_in_dim3A : i32 to vector<16xi32>
    %scan3A = arith.constant 0 : i32
    %scan3A_4 = arith.constant 0 : i32
    %scan3A_5 = arith.constant 625 : i32
    %scan3A_6 = arith.addi %scan3A_4, %scan3A_5 : i32
    %scan3A_7 = arith.constant 1 : i32
    scf.for %scan3A_9 = %scan3A_4 to %scan3A_6 step %scan3A_7  : i32 {
      %mul3A_10 = arith.constant 16 : i32
      %mul3A_11 = arith.muli %scan3A_9, %mul3A_10 : i32
      %get3A = arith.index_cast %mul3A_11 : i32 to index
      %get3A_12 = tpu.vector_load %arg5[%get3A] {strides = array<i32>} : memref<10000xi32, #tpu.memory_space<vmem>>, vector<16xi32>,
      tpu.vector_store_idx %arg6[%get3A_12], %broadcast_in_dim3A_3 {add = true} : memref<10240xi32, #tpu.memory_space<vmem>>[vector<16xi32>], vector<16xi32>,
    }
    %scan3A_8 = arith.constant 625 : i32
    "tpu.region"() ({
      %run_scoped3A = tpu.sem_alloc : memref<!tpu.dma_semaphore, #tpu.memory_space<semaphore_mem>>
      %dma_start3A = arith.constant 0 : i32
      %dma_start3A_9 = tpu.memref_slice %arg4[%add3A, %dma_start3A] : memref<32x10240xi32, #tpu.memory_space<hbm>> -> memref<1x10240xi32, #tpu.memory_space<hbm>>
      %dma_start3A_10 = tpu.memref_squeeze %dma_start3A_9 : memref<1x10240xi32, #tpu.memory_space<hbm>> -> memref<10240xi32, #tpu.memory_space<hbm>>
      %dma_start3A_11 = arith.constant 0 : i32
      %dma_start3A_12 = tpu.memref_slice %arg4[%add3A, %dma_start3A_11] : memref<32x10240xi32, #tpu.memory_space<hbm>> -> memref<1x10240xi32, #tpu.memory_space<hbm>>
      %dma_start3A_13 = tpu.memref_squeeze %dma_start3A_12 : memref<1x10240xi32, #tpu.memory_space<hbm>> -> memref<10240xi32, #tpu.memory_space<hbm>>
      tpu.enqueue_dma source(%arg6 : memref<10240xi32, #tpu.memory_space<vmem>>) target(%dma_start3A_13 : memref<10240xi32, #tpu.memory_space<hbm>>) target_semaphore(%run_scoped3A : memref<!tpu.dma_semaphore, #tpu.memory_space<semaphore_mem>>)
      %dma_wait3A = arith.constant 0 : i32
      %dma_wait3A_14 = tpu.memref_slice %arg4[%add3A, %dma_wait3A] : memref<32x10240xi32, #tpu.memory_space<hbm>> -> memref<1x10240xi32, #tpu.memory_space<hbm>>
      %dma_wait3A_15 = tpu.memref_squeeze %dma_wait3A_14 : memref<1x10240xi32, #tpu.memory_space<hbm>> -> memref<10240xi32, #tpu.memory_space<hbm>>
      %dma_wait3A_16 = arith.constant 0 : i32
      %dma_wait3A_17 = tpu.memref_slice %arg4[%add3A, %dma_wait3A_16] : memref<32x10240xi32, #tpu.memory_space<hbm>> -> memref<1x10240xi32, #tpu.memory_space<hbm>>
      %dma_wait3A_18 = tpu.memref_squeeze %dma_wait3A_17 : memref<1x10240xi32, #tpu.memory_space<hbm>> -> memref<10240xi32, #tpu.memory_space<hbm>>
      tpu.wait_dma2 semaphore(%run_scoped3A : memref<!tpu.dma_semaphore, #tpu.memory_space<semaphore_mem>>) src(%arg6 : memref<10240xi32, #tpu.memory_space<vmem>>) dst(%dma_wait3A_18 : memref<10240xi32, #tpu.memory_space<hbm>>)
      tpu.yield
    }) : () -> ()
    return
  }
}

#map = affine_map<(d0, d1) -> (0, 0)>
#map1 = affine_map<(d0, d1) -> (0, 0, 0, 0)>
module attributes {stable_mosaic.version = 14 : i64} {
  func.func @_scatter_body(%arg0: i32, %arg1: i32, %arg2: memref<10240x128xf32, #tpu.memory_space<hbm>>, %arg3: memref<32x100x2x100xi32, #tpu.memory_space<hbm>>, %arg4: memref<640x128xf32, #tpu.memory_space<hbm>>, %arg5: memref<10240x128xf32, #tpu.memory_space<hbm>>, %arg6: memref<10240x128xf32, #tpu.memory_space<hbm>>, %arg7: memref<2x100xi32, #tpu.memory_space<vmem>>, %arg8: memref<2x100xi32, #tpu.memory_space<vmem>>, %arg9: memref<2x100xi32, #tpu.memory_space<vmem>>, %arg10: memref<2x100xi32, #tpu.memory_space<vmem>>, %arg11: memref<100x128xf32, #tpu.memory_space<vmem>>, %arg12: memref<100x128xf32, #tpu.memory_space<vmem>>, %arg13: memref<10240x128xf32, #tpu.memory_space<vmem_shared>>, %arg14: memref<!tpu.dma_semaphore, #tpu.memory_space<semaphore_mem>>, %arg15: memref<!tpu.dma_semaphore, #tpu.memory_space<semaphore_mem>>, %arg16: memref<!tpu.dma_semaphore, #tpu.memory_space<semaphore_mem>>, %arg17: memref<!tpu.dma_semaphore, #tpu.memory_space<semaphore_mem>>, %arg18: memref<!tpu.dma_semaphore, #tpu.memory_space<semaphore_mem>>, %arg19: memref<!tpu.dma_semaphore, #tpu.memory_space<semaphore_mem>>) attributes {dimension_semantics = [#tpu.dimension_semantics<core_parallel>, #tpu.dimension_semantics<subcore_parallel>], iteration_bounds = array<i64: 2, 16>, scalar_prefetch = 0 : i64, scratch_operands = 13 : i64, tpu.core_type = #tpu.core_type<sc_vector_subcore>, window_params = [{transform_indices = #map}, {transform_indices = #map1}, {transform_indices = #map}, {transform_indices = #map}, {transform_indices = #map}]} {
    %mul3A = arith.constant 16 : i32
    %mul3A_0 = arith.muli %arg0, %mul3A : i32
    %add3A = arith.addi %mul3A_0, %arg1 : i32
    %mul3A_1 = arith.constant 640 : i32
    %mul3A_2 = arith.muli %arg1, %mul3A_1 : i32
    "tpu.region"() ({
      %run_scoped3A_145 = tpu.sem_alloc : memref<!tpu.dma_semaphore, #tpu.memory_space<semaphore_mem>>
      %dma_start3A_146 = arith.constant 0 : i32
      %dma_start3A_147 = tpu.memref_slice %arg13[%mul3A_2, %dma_start3A_146] : memref<10240x128xf32, #tpu.memory_space<vmem_shared>> -> memref<640x128xf32, #tpu.memory_space<vmem_shared>>
      tpu.enqueue_dma source(%arg4 : memref<640x128xf32, #tpu.memory_space<hbm>>) target(%dma_start3A_147 : memref<640x128xf32, #tpu.memory_space<vmem_shared>>) target_semaphore(%run_scoped3A_145 : memref<!tpu.dma_semaphore, #tpu.memory_space<semaphore_mem>>)
      %dma_wait3A_148 = arith.constant 0 : i32
      %dma_wait3A_149 = tpu.memref_slice %arg13[%mul3A_2, %dma_wait3A_148] : memref<10240x128xf32, #tpu.memory_space<vmem_shared>> -> memref<640x128xf32, #tpu.memory_space<vmem_shared>>
      tpu.wait_dma2 semaphore(%run_scoped3A_145 : memref<!tpu.dma_semaphore, #tpu.memory_space<semaphore_mem>>) src(%arg4 : memref<640x128xf32, #tpu.memory_space<hbm>>) dst(%dma_wait3A_149 : memref<640x128xf32, #tpu.memory_space<vmem_shared>>)
      tpu.yield
    }) : () -> ()
    %barrier3A = arith.constant 0 : index
    tpu.barrier barrier_id(%barrier3A)
    %dma_start3A = arith.constant 0 : i32
    %dma_start3A_3 = arith.constant 0 : i32
    %dma_start3A_4 = arith.constant 0 : i32
    %dma_start3A_5 = tpu.memref_slice %arg3[%add3A, %dma_start3A, %dma_start3A_3, %dma_start3A_4] : memref<32x100x2x100xi32, #tpu.memory_space<hbm>> -> memref<1x1x2x100xi32, #tpu.memory_space<hbm>>
    %dma_start3A_6 = tpu.memref_squeeze %dma_start3A_5 : memref<1x1x2x100xi32, #tpu.memory_space<hbm>> -> memref<2x100xi32, #tpu.memory_space<hbm>>
    %dma_start3A_7 = arith.constant 0 : i32
    %dma_start3A_8 = arith.constant 0 : i32
    %dma_start3A_9 = tpu.memref_slice %arg3[%add3A, %dma_start3A, %dma_start3A_7, %dma_start3A_8] : memref<32x100x2x100xi32, #tpu.memory_space<hbm>> -> memref<1x1x2x100xi32, #tpu.memory_space<hbm>>
    %dma_start3A_10 = tpu.memref_squeeze %dma_start3A_9 : memref<1x1x2x100xi32, #tpu.memory_space<hbm>> -> memref<2x100xi32, #tpu.memory_space<hbm>>
    tpu.enqueue_dma source(%dma_start3A_10 : memref<2x100xi32, #tpu.memory_space<hbm>>) target(%arg7 : memref<2x100xi32, #tpu.memory_space<vmem>>) target_semaphore(%arg14 : memref<!tpu.dma_semaphore, #tpu.memory_space<semaphore_mem>>)
    %dma_start3A_11 = arith.constant 1 : i32
    %dma_start3A_12 = arith.constant 0 : i32
    %dma_start3A_13 = arith.constant 0 : i32
    %dma_start3A_14 = tpu.memref_slice %arg3[%add3A, %dma_start3A_11, %dma_start3A_12, %dma_start3A_13] : memref<32x100x2x100xi32, #tpu.memory_space<hbm>> -> memref<1x1x2x100xi32, #tpu.memory_space<hbm>>
    %dma_start3A_15 = tpu.memref_squeeze %dma_start3A_14 : memref<1x1x2x100xi32, #tpu.memory_space<hbm>> -> memref<2x100xi32, #tpu.memory_space<hbm>>
    %dma_start3A_16 = arith.constant 0 : i32
    %dma_start3A_17 = arith.constant 0 : i32
    %dma_start3A_18 = tpu.memref_slice %arg3[%add3A, %dma_start3A_11, %dma_start3A_16, %dma_start3A_17] : memref<32x100x2x100xi32, #tpu.memory_space<hbm>> -> memref<1x1x2x100xi32, #tpu.memory_space<hbm>>
    %dma_start3A_19 = tpu.memref_squeeze %dma_start3A_18 : memref<1x1x2x100xi32, #tpu.memory_space<hbm>> -> memref<2x100xi32, #tpu.memory_space<hbm>>
    tpu.enqueue_dma source(%dma_start3A_19 : memref<2x100xi32, #tpu.memory_space<hbm>>) target(%arg8 : memref<2x100xi32, #tpu.memory_space<vmem>>) target_semaphore(%arg15 : memref<!tpu.dma_semaphore, #tpu.memory_space<semaphore_mem>>)
    %dma_start3A_20 = arith.constant 2 : i32
    %dma_start3A_21 = arith.constant 0 : i32
    %dma_start3A_22 = arith.constant 0 : i32
    %dma_start3A_23 = tpu.memref_slice %arg3[%add3A, %dma_start3A_20, %dma_start3A_21, %dma_start3A_22] : memref<32x100x2x100xi32, #tpu.memory_space<hbm>> -> memref<1x1x2x100xi32, #tpu.memory_space<hbm>>
    %dma_start3A_24 = tpu.memref_squeeze %dma_start3A_23 : memref<1x1x2x100xi32, #tpu.memory_space<hbm>> -> memref<2x100xi32, #tpu.memory_space<hbm>>
    %dma_start3A_25 = arith.constant 0 : i32
    %dma_start3A_26 = arith.constant 0 : i32
    %dma_start3A_27 = tpu.memref_slice %arg3[%add3A, %dma_start3A_20, %dma_start3A_25, %dma_start3A_26] : memref<32x100x2x100xi32, #tpu.memory_space<hbm>> -> memref<1x1x2x100xi32, #tpu.memory_space<hbm>>
    %dma_start3A_28 = tpu.memref_squeeze %dma_start3A_27 : memref<1x1x2x100xi32, #tpu.memory_space<hbm>> -> memref<2x100xi32, #tpu.memory_space<hbm>>
    tpu.enqueue_dma source(%dma_start3A_28 : memref<2x100xi32, #tpu.memory_space<hbm>>) target(%arg9 : memref<2x100xi32, #tpu.memory_space<vmem>>) target_semaphore(%arg16 : memref<!tpu.dma_semaphore, #tpu.memory_space<semaphore_mem>>)
    %dma_start3A_29 = arith.constant 3 : i32
    %dma_start3A_30 = arith.constant 0 : i32
    %dma_start3A_31 = arith.constant 0 : i32
    %dma_start3A_32 = tpu.memref_slice %arg3[%add3A, %dma_start3A_29, %dma_start3A_30, %dma_start3A_31] : memref<32x100x2x100xi32, #tpu.memory_space<hbm>> -> memref<1x1x2x100xi32, #tpu.memory_space<hbm>>
    %dma_start3A_33 = tpu.memref_squeeze %dma_start3A_32 : memref<1x1x2x100xi32, #tpu.memory_space<hbm>> -> memref<2x100xi32, #tpu.memory_space<hbm>>
    %dma_start3A_34 = arith.constant 0 : i32
    %dma_start3A_35 = arith.constant 0 : i32
    %dma_start3A_36 = tpu.memref_slice %arg3[%add3A, %dma_start3A_29, %dma_start3A_34, %dma_start3A_35] : memref<32x100x2x100xi32, #tpu.memory_space<hbm>> -> memref<1x1x2x100xi32, #tpu.memory_space<hbm>>
    %dma_start3A_37 = tpu.memref_squeeze %dma_start3A_36 : memref<1x1x2x100xi32, #tpu.memory_space<hbm>> -> memref<2x100xi32, #tpu.memory_space<hbm>>
    tpu.enqueue_dma source(%dma_start3A_37 : memref<2x100xi32, #tpu.memory_space<hbm>>) target(%arg10 : memref<2x100xi32, #tpu.memory_space<vmem>>) target_semaphore(%arg17 : memref<!tpu.dma_semaphore, #tpu.memory_space<semaphore_mem>>)
    %dma_wait3A = arith.constant 0 : i32
    %dma_wait3A_38 = arith.constant 0 : i32
    %dma_wait3A_39 = arith.constant 0 : i32
    %dma_wait3A_40 = tpu.memref_slice %arg3[%add3A, %dma_wait3A, %dma_wait3A_38, %dma_wait3A_39] : memref<32x100x2x100xi32, #tpu.memory_space<hbm>> -> memref<1x1x2x100xi32, #tpu.memory_space<hbm>>
    %dma_wait3A_41 = tpu.memref_squeeze %dma_wait3A_40 : memref<1x1x2x100xi32, #tpu.memory_space<hbm>> -> memref<2x100xi32, #tpu.memory_space<hbm>>
    %dma_wait3A_42 = arith.constant 0 : i32
    %dma_wait3A_43 = arith.constant 0 : i32
    %dma_wait3A_44 = tpu.memref_slice %arg3[%add3A, %dma_wait3A, %dma_wait3A_42, %dma_wait3A_43] : memref<32x100x2x100xi32, #tpu.memory_space<hbm>> -> memref<1x1x2x100xi32, #tpu.memory_space<hbm>>
    %dma_wait3A_45 = tpu.memref_squeeze %dma_wait3A_44 : memref<1x1x2x100xi32, #tpu.memory_space<hbm>> -> memref<2x100xi32, #tpu.memory_space<hbm>>
    tpu.wait_dma2 semaphore(%arg14 : memref<!tpu.dma_semaphore, #tpu.memory_space<semaphore_mem>>) src(%dma_wait3A_45 : memref<2x100xi32, #tpu.memory_space<hbm>>) dst(%arg7 : memref<2x100xi32, #tpu.memory_space<vmem>>)
    %dma_start3A_46 = arith.constant 0 : i32
    %dma_start3A_47 = arith.constant 0 : i32
    %dma_start3A_48 = tpu.memref_slice %arg7[%dma_start3A_46, %dma_start3A_47] : memref<2x100xi32, #tpu.memory_space<vmem>> -> memref<1x100xi32, #tpu.memory_space<vmem>>
    %dma_start3A_49 = tpu.memref_squeeze %dma_start3A_48 : memref<1x100xi32, #tpu.memory_space<vmem>> -> memref<100xi32, #tpu.memory_space<vmem>>
    %dma_start3A_50 = arith.constant 0 : i32
    %dma_start3A_51 = arith.constant 0 : i32
    %dma_start3A_52 = tpu.memref_slice %arg2[%dma_start3A_50, %dma_start3A_51] : memref<10240x128xf32, #tpu.memory_space<hbm>> -> memref<10240x128xf32, #tpu.memory_space<hbm>>
    tpu.enqueue_indirect_dma source(%dma_start3A_52 : memref<10240x128xf32, #tpu.memory_space<hbm>>) target(%arg11 : memref<100x128xf32, #tpu.memory_space<vmem>>) offsets(%dma_start3A_49 : memref<100xi32, #tpu.memory_space<vmem>>) semaphore(%arg18 : memref<!tpu.dma_semaphore, #tpu.memory_space<semaphore_mem>>)
    %scan3A = arith.constant 0 : i32
    %scan3A_53 = arith.constant 0 : i32
    %scan3A_54 = arith.constant 24 : i32
    %scan3A_55 = arith.addi %scan3A_53, %scan3A_54 : i32
    %scan3A_56 = arith.constant 1 : i32
    scf.for %scan3A_145 = %scan3A_53 to %scan3A_55 step %scan3A_56  : i32 {
      %mul3A_146 = arith.constant 4 : i32
      %mul3A_147 = arith.muli %mul3A_146, %scan3A_145 : i32
      %add3A_148 = arith.constant 0 : i32
      %add3A_149 = arith.addi %mul3A_147, %add3A_148 : i32
      %dma_wait3A_150 = arith.constant 0 : i32
      %dma_wait3A_151 = arith.constant 0 : i32
      %dma_wait3A_152 = arith.constant 0 : i32
      %dma_wait3A_153 = tpu.memref_slice %arg3[%add3A, %dma_wait3A_150, %dma_wait3A_151, %dma_wait3A_152] : memref<32x100x2x100xi32, #tpu.memory_space<hbm>> -> memref<1x1x2x100xi32, #tpu.memory_space<hbm>>
      %dma_wait3A_154 = tpu.memref_squeeze %dma_wait3A_153 : memref<1x1x2x100xi32, #tpu.memory_space<hbm>> -> memref<2x100xi32, #tpu.memory_space<hbm>>
      %dma_wait3A_155 = arith.constant 0 : i32
      %dma_wait3A_156 = arith.constant 0 : i32
      %dma_wait3A_157 = tpu.memref_slice %arg3[%add3A, %dma_wait3A_150, %dma_wait3A_155, %dma_wait3A_156] : memref<32x100x2x100xi32, #tpu.memory_space<hbm>> -> memref<1x1x2x100xi32, #tpu.memory_space<hbm>>
      %dma_wait3A_158 = tpu.memref_squeeze %dma_wait3A_157 : memref<1x1x2x100xi32, #tpu.memory_space<hbm>> -> memref<2x100xi32, #tpu.memory_space<hbm>>
      tpu.wait_dma2 semaphore(%arg15 : memref<!tpu.dma_semaphore, #tpu.memory_space<semaphore_mem>>) src(%dma_wait3A_158 : memref<2x100xi32, #tpu.memory_space<hbm>>) dst(%arg8 : memref<2x100xi32, #tpu.memory_space<vmem>>)
      %dma_start3A_159 = arith.constant 0 : i32
      %dma_start3A_160 = arith.constant 0 : i32
      %dma_start3A_161 = tpu.memref_slice %arg8[%dma_start3A_159, %dma_start3A_160] : memref<2x100xi32, #tpu.memory_space<vmem>> -> memref<1x100xi32, #tpu.memory_space<vmem>>
      %dma_start3A_162 = tpu.memref_squeeze %dma_start3A_161 : memref<1x100xi32, #tpu.memory_space<vmem>> -> memref<100xi32, #tpu.memory_space<vmem>>
      %dma_start3A_163 = arith.constant 0 : i32
      %dma_start3A_164 = arith.constant 0 : i32
      %dma_start3A_165 = tpu.memref_slice %arg2[%dma_start3A_163, %dma_start3A_164] : memref<10240x128xf32, #tpu.memory_space<hbm>> -> memref<10240x128xf32, #tpu.memory_space<hbm>>
      tpu.enqueue_indirect_dma source(%dma_start3A_165 : memref<10240x128xf32, #tpu.memory_space<hbm>>) target(%arg12 : memref<100x128xf32, #tpu.memory_space<vmem>>) offsets(%dma_start3A_162 : memref<100xi32, #tpu.memory_space<vmem>>) semaphore(%arg19 : memref<!tpu.dma_semaphore, #tpu.memory_space<semaphore_mem>>)
      %dma_wait3A_166 = arith.constant 0 : i32
      %dma_wait3A_167 = arith.constant 0 : i32
      %dma_wait3A_168 = tpu.memref_slice %arg7[%dma_wait3A_166, %dma_wait3A_167] : memref<2x100xi32, #tpu.memory_space<vmem>> -> memref<1x100xi32, #tpu.memory_space<vmem>>
      %dma_wait3A_169 = tpu.memref_squeeze %dma_wait3A_168 : memref<1x100xi32, #tpu.memory_space<vmem>> -> memref<100xi32, #tpu.memory_space<vmem>>
      %dma_wait3A_170 = arith.constant 0 : i32
      %dma_wait3A_171 = arith.constant 0 : i32
      %dma_wait3A_172 = tpu.memref_slice %arg2[%dma_wait3A_170, %dma_wait3A_171] : memref<10240x128xf32, #tpu.memory_space<hbm>> -> memref<10240x128xf32, #tpu.memory_space<hbm>>
      tpu.wait_indirect_dma semaphore(%arg18 : memref<!tpu.dma_semaphore, #tpu.memory_space<semaphore_mem>>) src(%dma_wait3A_172 : memref<10240x128xf32, #tpu.memory_space<hbm>>) dst(%arg11 : memref<100x128xf32, #tpu.memory_space<vmem>>)
      %run_scoped3A_173 = arith.constant 1 : i32
      "tpu.region"() ({
        %run_scoped3A_292 = tpu.sem_alloc : memref<!tpu.dma_semaphore, #tpu.memory_space<semaphore_mem>>
        %dma_start3A_293 = arith.constant 0 : i32
        %dma_start3A_294 = tpu.memref_slice %arg7[%run_scoped3A_173, %dma_start3A_293] : memref<2x100xi32, #tpu.memory_space<vmem>> -> memref<1x100xi32, #tpu.memory_space<vmem>>
        %dma_start3A_295 = tpu.memref_squeeze %dma_start3A_294 : memref<1x100xi32, #tpu.memory_space<vmem>> -> memref<100xi32, #tpu.memory_space<vmem>>
        %dma_start3A_296 = arith.constant 0 : i32
        %dma_start3A_297 = arith.constant 0 : i32
        %dma_start3A_298 = tpu.memref_slice %arg13[%dma_start3A_296, %dma_start3A_297] : memref<10240x128xf32, #tpu.memory_space<vmem_shared>> -> memref<10240x128xf32, #tpu.memory_space<vmem_shared>>
        tpu.enqueue_indirect_dma source(%arg11 : memref<100x128xf32, #tpu.memory_space<vmem>>) target(%dma_start3A_298 : memref<10240x128xf32, #tpu.memory_space<vmem_shared>>) offsets(%dma_start3A_295 : memref<100xi32, #tpu.memory_space<vmem>>) semaphore(%run_scoped3A_292 : memref<!tpu.dma_semaphore, #tpu.memory_space<semaphore_mem>>) {add = true}
        %dma_wait3A_299 = arith.constant 0 : i32
        %dma_wait3A_300 = tpu.memref_slice %arg7[%run_scoped3A_173, %dma_wait3A_299] : memref<2x100xi32, #tpu.memory_space<vmem>> -> memref<1x100xi32, #tpu.memory_space<vmem>>
        %dma_wait3A_301 = tpu.memref_squeeze %dma_wait3A_300 : memref<1x100xi32, #tpu.memory_space<vmem>> -> memref<100xi32, #tpu.memory_space<vmem>>
        %dma_wait3A_302 = arith.constant 0 : i32
        %dma_wait3A_303 = arith.constant 0 : i32
        %dma_wait3A_304 = tpu.memref_slice %arg13[%dma_wait3A_302, %dma_wait3A_303] : memref<10240x128xf32, #tpu.memory_space<vmem_shared>> -> memref<10240x128xf32, #tpu.memory_space<vmem_shared>>
        tpu.wait_indirect_dma semaphore(%run_scoped3A_292 : memref<!tpu.dma_semaphore, #tpu.memory_space<semaphore_mem>>) src(%arg11 : memref<100x128xf32, #tpu.memory_space<vmem>>) dst(%dma_wait3A_304 : memref<10240x128xf32, #tpu.memory_space<vmem_shared>>)
        tpu.yield
      }) : () -> ()
      %add3A_174 = arith.constant 4 : i32
      %add3A_175 = arith.addi %add3A_149, %add3A_174 : i32
      %dma_start3A_176 = arith.constant 0 : i32
      %dma_start3A_177 = arith.constant 0 : i32
      %dma_start3A_178 = tpu.memref_slice %arg3[%add3A, %add3A_175, %dma_start3A_176, %dma_start3A_177] : memref<32x100x2x100xi32, #tpu.memory_space<hbm>> -> memref<1x1x2x100xi32, #tpu.memory_space<hbm>>
      %dma_start3A_179 = tpu.memref_squeeze %dma_start3A_178 : memref<1x1x2x100xi32, #tpu.memory_space<hbm>> -> memref<2x100xi32, #tpu.memory_space<hbm>>
      %dma_start3A_180 = arith.constant 0 : i32
      %dma_start3A_181 = arith.constant 0 : i32
      %dma_start3A_182 = tpu.memref_slice %arg3[%add3A, %add3A_175, %dma_start3A_180, %dma_start3A_181] : memref<32x100x2x100xi32, #tpu.memory_space<hbm>> -> memref<1x1x2x100xi32, #tpu.memory_space<hbm>>
      %dma_start3A_183 = tpu.memref_squeeze %dma_start3A_182 : memref<1x1x2x100xi32, #tpu.memory_space<hbm>> -> memref<2x100xi32, #tpu.memory_space<hbm>>
      tpu.enqueue_dma source(%dma_start3A_183 : memref<2x100xi32, #tpu.memory_space<hbm>>) target(%arg7 : memref<2x100xi32, #tpu.memory_space<vmem>>) target_semaphore(%arg14 : memref<!tpu.dma_semaphore, #tpu.memory_space<semaphore_mem>>)
      %add3A_184 = arith.constant 1 : i32
      %add3A_185 = arith.addi %mul3A_147, %add3A_184 : i32
      %dma_wait3A_186 = arith.constant 0 : i32
      %dma_wait3A_187 = arith.constant 0 : i32
      %dma_wait3A_188 = arith.constant 0 : i32
      %dma_wait3A_189 = tpu.memref_slice %arg3[%add3A, %dma_wait3A_186, %dma_wait3A_187, %dma_wait3A_188] : memref<32x100x2x100xi32, #tpu.memory_space<hbm>> -> memref<1x1x2x100xi32, #tpu.memory_space<hbm>>
      %dma_wait3A_190 = tpu.memref_squeeze %dma_wait3A_189 : memref<1x1x2x100xi32, #tpu.memory_space<hbm>> -> memref<2x100xi32, #tpu.memory_space<hbm>>
      %dma_wait3A_191 = arith.constant 0 : i32
      %dma_wait3A_192 = arith.constant 0 : i32
      %dma_wait3A_193 = tpu.memref_slice %arg3[%add3A, %dma_wait3A_186, %dma_wait3A_191, %dma_wait3A_192] : memref<32x100x2x100xi32, #tpu.memory_space<hbm>> -> memref<1x1x2x100xi32, #tpu.memory_space<hbm>>
      %dma_wait3A_194 = tpu.memref_squeeze %dma_wait3A_193 : memref<1x1x2x100xi32, #tpu.memory_space<hbm>> -> memref<2x100xi32, #tpu.memory_space<hbm>>
      tpu.wait_dma2 semaphore(%arg16 : memref<!tpu.dma_semaphore, #tpu.memory_space<semaphore_mem>>) src(%dma_wait3A_194 : memref<2x100xi32, #tpu.memory_space<hbm>>) dst(%arg9 : memref<2x100xi32, #tpu.memory_space<vmem>>)
      %dma_start3A_195 = arith.constant 0 : i32
      %dma_start3A_196 = arith.constant 0 : i32
      %dma_start3A_197 = tpu.memref_slice %arg9[%dma_start3A_195, %dma_start3A_196] : memref<2x100xi32, #tpu.memory_space<vmem>> -> memref<1x100xi32, #tpu.memory_space<vmem>>
      %dma_start3A_198 = tpu.memref_squeeze %dma_start3A_197 : memref<1x100xi32, #tpu.memory_space<vmem>> -> memref<100xi32, #tpu.memory_space<vmem>>
      %dma_start3A_199 = arith.constant 0 : i32
      %dma_start3A_200 = arith.constant 0 : i32
      %dma_start3A_201 = tpu.memref_slice %arg2[%dma_start3A_199, %dma_start3A_200] : memref<10240x128xf32, #tpu.memory_space<hbm>> -> memref<10240x128xf32, #tpu.memory_space<hbm>>
      tpu.enqueue_indirect_dma source(%dma_start3A_201 : memref<10240x128xf32, #tpu.memory_space<hbm>>) target(%arg11 : memref<100x128xf32, #tpu.memory_space<vmem>>) offsets(%dma_start3A_198 : memref<100xi32, #tpu.memory_space<vmem>>) semaphore(%arg18 : memref<!tpu.dma_semaphore, #tpu.memory_space<semaphore_mem>>)
      %dma_wait3A_202 = arith.constant 0 : i32
      %dma_wait3A_203 = arith.constant 0 : i32
      %dma_wait3A_204 = tpu.memref_slice %arg7[%dma_wait3A_202, %dma_wait3A_203] : memref<2x100xi32, #tpu.memory_space<vmem>> -> memref<1x100xi32, #tpu.memory_space<vmem>>
      %dma_wait3A_205 = tpu.memref_squeeze %dma_wait3A_204 : memref<1x100xi32, #tpu.memory_space<vmem>> -> memref<100xi32, #tpu.memory_space<vmem>>
      %dma_wait3A_206 = arith.constant 0 : i32
      %dma_wait3A_207 = arith.constant 0 : i32
      %dma_wait3A_208 = tpu.memref_slice %arg2[%dma_wait3A_206, %dma_wait3A_207] : memref<10240x128xf32, #tpu.memory_space<hbm>> -> memref<10240x128xf32, #tpu.memory_space<hbm>>
      tpu.wait_indirect_dma semaphore(%arg19 : memref<!tpu.dma_semaphore, #tpu.memory_space<semaphore_mem>>) src(%dma_wait3A_208 : memref<10240x128xf32, #tpu.memory_space<hbm>>) dst(%arg12 : memref<100x128xf32, #tpu.memory_space<vmem>>)
      %run_scoped3A_209 = arith.constant 1 : i32
      "tpu.region"() ({
        %run_scoped3A_292 = tpu.sem_alloc : memref<!tpu.dma_semaphore, #tpu.memory_space<semaphore_mem>>
        %dma_start3A_293 = arith.constant 0 : i32
        %dma_start3A_294 = tpu.memref_slice %arg8[%run_scoped3A_209, %dma_start3A_293] : memref<2x100xi32, #tpu.memory_space<vmem>> -> memref<1x100xi32, #tpu.memory_space<vmem>>
        %dma_start3A_295 = tpu.memref_squeeze %dma_start3A_294 : memref<1x100xi32, #tpu.memory_space<vmem>> -> memref<100xi32, #tpu.memory_space<vmem>>
        %dma_start3A_296 = arith.constant 0 : i32
        %dma_start3A_297 = arith.constant 0 : i32
        %dma_start3A_298 = tpu.memref_slice %arg13[%dma_start3A_296, %dma_start3A_297] : memref<10240x128xf32, #tpu.memory_space<vmem_shared>> -> memref<10240x128xf32, #tpu.memory_space<vmem_shared>>
        tpu.enqueue_indirect_dma source(%arg12 : memref<100x128xf32, #tpu.memory_space<vmem>>) target(%dma_start3A_298 : memref<10240x128xf32, #tpu.memory_space<vmem_shared>>) offsets(%dma_start3A_295 : memref<100xi32, #tpu.memory_space<vmem>>) semaphore(%run_scoped3A_292 : memref<!tpu.dma_semaphore, #tpu.memory_space<semaphore_mem>>) {add = true}
        %dma_wait3A_299 = arith.constant 0 : i32
        %dma_wait3A_300 = tpu.memref_slice %arg8[%run_scoped3A_209, %dma_wait3A_299] : memref<2x100xi32, #tpu.memory_space<vmem>> -> memref<1x100xi32, #tpu.memory_space<vmem>>
        %dma_wait3A_301 = tpu.memref_squeeze %dma_wait3A_300 : memref<1x100xi32, #tpu.memory_space<vmem>> -> memref<100xi32, #tpu.memory_space<vmem>>
        %dma_wait3A_302 = arith.constant 0 : i32
        %dma_wait3A_303 = arith.constant 0 : i32
        %dma_wait3A_304 = tpu.memref_slice %arg13[%dma_wait3A_302, %dma_wait3A_303] : memref<10240x128xf32, #tpu.memory_space<vmem_shared>> -> memref<10240x128xf32, #tpu.memory_space<vmem_shared>>
        tpu.wait_indirect_dma semaphore(%run_scoped3A_292 : memref<!tpu.dma_semaphore, #tpu.memory_space<semaphore_mem>>) src(%arg12 : memref<100x128xf32, #tpu.memory_space<vmem>>) dst(%dma_wait3A_304 : memref<10240x128xf32, #tpu.memory_space<vmem_shared>>)
        tpu.yield
      }) : () -> ()
      %add3A_210 = arith.constant 4 : i32
      %add3A_211 = arith.addi %add3A_185, %add3A_210 : i32
      %dma_start3A_212 = arith.constant 0 : i32
      %dma_start3A_213 = arith.constant 0 : i32
      %dma_start3A_214 = tpu.memref_slice %arg3[%add3A, %add3A_211, %dma_start3A_212, %dma_start3A_213] : memref<32x100x2x100xi32, #tpu.memory_space<hbm>> -> memref<1x1x2x100xi32, #tpu.memory_space<hbm>>
      %dma_start3A_215 = tpu.memref_squeeze %dma_start3A_214 : memref<1x1x2x100xi32, #tpu.memory_space<hbm>> -> memref<2x100xi32, #tpu.memory_space<hbm>>
      %dma_start3A_216 = arith.constant 0 : i32
      %dma_start3A_217 = arith.constant 0 : i32
      %dma_start3A_218 = tpu.memref_slice %arg3[%add3A, %add3A_211, %dma_start3A_216, %dma_start3A_217] : memref<32x100x2x100xi32, #tpu.memory_space<hbm>> -> memref<1x1x2x100xi32, #tpu.memory_space<hbm>>
      %dma_start3A_219 = tpu.memref_squeeze %dma_start3A_218 : memref<1x1x2x100xi32, #tpu.memory_space<hbm>> -> memref<2x100xi32, #tpu.memory_space<hbm>>
      tpu.enqueue_dma source(%dma_start3A_219 : memref<2x100xi32, #tpu.memory_space<hbm>>) target(%arg8 : memref<2x100xi32, #tpu.memory_space<vmem>>) target_semaphore(%arg15 : memref<!tpu.dma_semaphore, #tpu.memory_space<semaphore_mem>>)
      %add3A_220 = arith.constant 2 : i32
      %add3A_221 = arith.addi %mul3A_147, %add3A_220 : i32
      %dma_wait3A_222 = arith.constant 0 : i32
      %dma_wait3A_223 = arith.constant 0 : i32
      %dma_wait3A_224 = arith.constant 0 : i32
      %dma_wait3A_225 = tpu.memref_slice %arg3[%add3A, %dma_wait3A_222, %dma_wait3A_223, %dma_wait3A_224] : memref<32x100x2x100xi32, #tpu.memory_space<hbm>> -> memref<1x1x2x100xi32, #tpu.memory_space<hbm>>
      %dma_wait3A_226 = tpu.memref_squeeze %dma_wait3A_225 : memref<1x1x2x100xi32, #tpu.memory_space<hbm>> -> memref<2x100xi32, #tpu.memory_space<hbm>>
      %dma_wait3A_227 = arith.constant 0 : i32
      %dma_wait3A_228 = arith.constant 0 : i32
      %dma_wait3A_229 = tpu.memref_slice %arg3[%add3A, %dma_wait3A_222, %dma_wait3A_227, %dma_wait3A_228] : memref<32x100x2x100xi32, #tpu.memory_space<hbm>> -> memref<1x1x2x100xi32, #tpu.memory_space<hbm>>
      %dma_wait3A_230 = tpu.memref_squeeze %dma_wait3A_229 : memref<1x1x2x100xi32, #tpu.memory_space<hbm>> -> memref<2x100xi32, #tpu.memory_space<hbm>>
      tpu.wait_dma2 semaphore(%arg17 : memref<!tpu.dma_semaphore, #tpu.memory_space<semaphore_mem>>) src(%dma_wait3A_230 : memref<2x100xi32, #tpu.memory_space<hbm>>) dst(%arg10 : memref<2x100xi32, #tpu.memory_space<vmem>>)
      %dma_start3A_231 = arith.constant 0 : i32
      %dma_start3A_232 = arith.constant 0 : i32
      %dma_start3A_233 = tpu.memref_slice %arg10[%dma_start3A_231, %dma_start3A_232] : memref<2x100xi32, #tpu.memory_space<vmem>> -> memref<1x100xi32, #tpu.memory_space<vmem>>
      %dma_start3A_234 = tpu.memref_squeeze %dma_start3A_233 : memref<1x100xi32, #tpu.memory_space<vmem>> -> memref<100xi32, #tpu.memory_space<vmem>>
      %dma_start3A_235 = arith.constant 0 : i32
      %dma_start3A_236 = arith.constant 0 : i32
      %dma_start3A_237 = tpu.memref_slice %arg2[%dma_start3A_235, %dma_start3A_236] : memref<10240x128xf32, #tpu.memory_space<hbm>> -> memref<10240x128xf32, #tpu.memory_space<hbm>>
      tpu.enqueue_indirect_dma source(%dma_start3A_237 : memref<10240x128xf32, #tpu.memory_space<hbm>>) target(%arg12 : memref<100x128xf32, #tpu.memory_space<vmem>>) offsets(%dma_start3A_234 : memref<100xi32, #tpu.memory_space<vmem>>) semaphore(%arg19 : memref<!tpu.dma_semaphore, #tpu.memory_space<semaphore_mem>>)
      %dma_wait3A_238 = arith.constant 0 : i32
      %dma_wait3A_239 = arith.constant 0 : i32
      %dma_wait3A_240 = tpu.memref_slice %arg7[%dma_wait3A_238, %dma_wait3A_239] : memref<2x100xi32, #tpu.memory_space<vmem>> -> memref<1x100xi32, #tpu.memory_space<vmem>>
      %dma_wait3A_241 = tpu.memref_squeeze %dma_wait3A_240 : memref<1x100xi32, #tpu.memory_space<vmem>> -> memref<100xi32, #tpu.memory_space<vmem>>
      %dma_wait3A_242 = arith.constant 0 : i32
      %dma_wait3A_243 = arith.constant 0 : i32
      %dma_wait3A_244 = tpu.memref_slice %arg2[%dma_wait3A_242, %dma_wait3A_243] : memref<10240x128xf32, #tpu.memory_space<hbm>> -> memref<10240x128xf32, #tpu.memory_space<hbm>>
      tpu.wait_indirect_dma semaphore(%arg18 : memref<!tpu.dma_semaphore, #tpu.memory_space<semaphore_mem>>) src(%dma_wait3A_244 : memref<10240x128xf32, #tpu.memory_space<hbm>>) dst(%arg11 : memref<100x128xf32, #tpu.memory_space<vmem>>)
      %run_scoped3A_245 = arith.constant 1 : i32
      "tpu.region"() ({
        %run_scoped3A_292 = tpu.sem_alloc : memref<!tpu.dma_semaphore, #tpu.memory_space<semaphore_mem>>
        %dma_start3A_293 = arith.constant 0 : i32
        %dma_start3A_294 = tpu.memref_slice %arg9[%run_scoped3A_245, %dma_start3A_293] : memref<2x100xi32, #tpu.memory_space<vmem>> -> memref<1x100xi32, #tpu.memory_space<vmem>>
        %dma_start3A_295 = tpu.memref_squeeze %dma_start3A_294 : memref<1x100xi32, #tpu.memory_space<vmem>> -> memref<100xi32, #tpu.memory_space<vmem>>
        %dma_start3A_296 = arith.constant 0 : i32
        %dma_start3A_297 = arith.constant 0 : i32
        %dma_start3A_298 = tpu.memref_slice %arg13[%dma_start3A_296, %dma_start3A_297] : memref<10240x128xf32, #tpu.memory_space<vmem_shared>> -> memref<10240x128xf32, #tpu.memory_space<vmem_shared>>
        tpu.enqueue_indirect_dma source(%arg11 : memref<100x128xf32, #tpu.memory_space<vmem>>) target(%dma_start3A_298 : memref<10240x128xf32, #tpu.memory_space<vmem_shared>>) offsets(%dma_start3A_295 : memref<100xi32, #tpu.memory_space<vmem>>) semaphore(%run_scoped3A_292 : memref<!tpu.dma_semaphore, #tpu.memory_space<semaphore_mem>>) {add = true}
        %dma_wait3A_299 = arith.constant 0 : i32
        %dma_wait3A_300 = tpu.memref_slice %arg9[%run_scoped3A_245, %dma_wait3A_299] : memref<2x100xi32, #tpu.memory_space<vmem>> -> memref<1x100xi32, #tpu.memory_space<vmem>>
        %dma_wait3A_301 = tpu.memref_squeeze %dma_wait3A_300 : memref<1x100xi32, #tpu.memory_space<vmem>> -> memref<100xi32, #tpu.memory_space<vmem>>
        %dma_wait3A_302 = arith.constant 0 : i32
        %dma_wait3A_303 = arith.constant 0 : i32
        %dma_wait3A_304 = tpu.memref_slice %arg13[%dma_wait3A_302, %dma_wait3A_303] : memref<10240x128xf32, #tpu.memory_space<vmem_shared>> -> memref<10240x128xf32, #tpu.memory_space<vmem_shared>>
        tpu.wait_indirect_dma semaphore(%run_scoped3A_292 : memref<!tpu.dma_semaphore, #tpu.memory_space<semaphore_mem>>) src(%arg11 : memref<100x128xf32, #tpu.memory_space<vmem>>) dst(%dma_wait3A_304 : memref<10240x128xf32, #tpu.memory_space<vmem_shared>>)
        tpu.yield
      }) : () -> ()
      %add3A_246 = arith.constant 4 : i32
      %add3A_247 = arith.addi %add3A_221, %add3A_246 : i32
      %dma_start3A_248 = arith.constant 0 : i32
      %dma_start3A_249 = arith.constant 0 : i32
      %dma_start3A_250 = tpu.memref_slice %arg3[%add3A, %add3A_247, %dma_start3A_248, %dma_start3A_249] : memref<32x100x2x100xi32, #tpu.memory_space<hbm>> -> memref<1x1x2x100xi32, #tpu.memory_space<hbm>>
      %dma_start3A_251 = tpu.memref_squeeze %dma_start3A_250 : memref<1x1x2x100xi32, #tpu.memory_space<hbm>> -> memref<2x100xi32, #tpu.memory_space<hbm>>
      %dma_start3A_252 = arith.constant 0 : i32
      %dma_start3A_253 = arith.constant 0 : i32
      %dma_start3A_254 = tpu.memref_slice %arg3[%add3A, %add3A_247, %dma_start3A_252, %dma_start3A_253] : memref<32x100x2x100xi32, #tpu.memory_space<hbm>> -> memref<1x1x2x100xi32, #tpu.memory_space<hbm>>
      %dma_start3A_255 = tpu.memref_squeeze %dma_start3A_254 : memref<1x1x2x100xi32, #tpu.memory_space<hbm>> -> memref<2x100xi32, #tpu.memory_space<hbm>>
      tpu.enqueue_dma source(%dma_start3A_255 : memref<2x100xi32, #tpu.memory_space<hbm>>) target(%arg9 : memref<2x100xi32, #tpu.memory_space<vmem>>) target_semaphore(%arg16 : memref<!tpu.dma_semaphore, #tpu.memory_space<semaphore_mem>>)
      %add3A_256 = arith.constant 3 : i32
      %add3A_257 = arith.addi %mul3A_147, %add3A_256 : i32
      %dma_wait3A_258 = arith.constant 0 : i32
      %dma_wait3A_259 = arith.constant 0 : i32
      %dma_wait3A_260 = arith.constant 0 : i32
      %dma_wait3A_261 = tpu.memref_slice %arg3[%add3A, %dma_wait3A_258, %dma_wait3A_259, %dma_wait3A_260] : memref<32x100x2x100xi32, #tpu.memory_space<hbm>> -> memref<1x1x2x100xi32, #tpu.memory_space<hbm>>
      %dma_wait3A_262 = tpu.memref_squeeze %dma_wait3A_261 : memref<1x1x2x100xi32, #tpu.memory_space<hbm>> -> memref<2x100xi32, #tpu.memory_space<hbm>>
      %dma_wait3A_263 = arith.constant 0 : i32
      %dma_wait3A_264 = arith.constant 0 : i32
      %dma_wait3A_265 = tpu.memref_slice %arg3[%add3A, %dma_wait3A_258, %dma_wait3A_263, %dma_wait3A_264] : memref<32x100x2x100xi32, #tpu.memory_space<hbm>> -> memref<1x1x2x100xi32, #tpu.memory_space<hbm>>
      %dma_wait3A_266 = tpu.memref_squeeze %dma_wait3A_265 : memref<1x1x2x100xi32, #tpu.memory_space<hbm>> -> memref<2x100xi32, #tpu.memory_space<hbm>>
      tpu.wait_dma2 semaphore(%arg14 : memref<!tpu.dma_semaphore, #tpu.memory_space<semaphore_mem>>) src(%dma_wait3A_266 : memref<2x100xi32, #tpu.memory_space<hbm>>) dst(%arg7 : memref<2x100xi32, #tpu.memory_space<vmem>>)
      %dma_start3A_267 = arith.constant 0 : i32
      %dma_start3A_268 = arith.constant 0 : i32
      %dma_start3A_269 = tpu.memref_slice %arg7[%dma_start3A_267, %dma_start3A_268] : memref<2x100xi32, #tpu.memory_space<vmem>> -> memref<1x100xi32, #tpu.memory_space<vmem>>
      %dma_start3A_270 = tpu.memref_squeeze %dma_start3A_269 : memref<1x100xi32, #tpu.memory_space<vmem>> -> memref<100xi32, #tpu.memory_space<vmem>>
      %dma_start3A_271 = arith.constant 0 : i32
      %dma_start3A_272 = arith.constant 0 : i32
      %dma_start3A_273 = tpu.memref_slice %arg2[%dma_start3A_271, %dma_start3A_272] : memref<10240x128xf32, #tpu.memory_space<hbm>> -> memref<10240x128xf32, #tpu.memory_space<hbm>>
      tpu.enqueue_indirect_dma source(%dma_start3A_273 : memref<10240x128xf32, #tpu.memory_space<hbm>>) target(%arg11 : memref<100x128xf32, #tpu.memory_space<vmem>>) offsets(%dma_start3A_270 : memref<100xi32, #tpu.memory_space<vmem>>) semaphore(%arg18 : memref<!tpu.dma_semaphore, #tpu.memory_space<semaphore_mem>>)
      %dma_wait3A_274 = arith.constant 0 : i32
      %dma_wait3A_275 = arith.constant 0 : i32
      %dma_wait3A_276 = tpu.memref_slice %arg7[%dma_wait3A_274, %dma_wait3A_275] : memref<2x100xi32, #tpu.memory_space<vmem>> -> memref<1x100xi32, #tpu.memory_space<vmem>>
      %dma_wait3A_277 = tpu.memref_squeeze %dma_wait3A_276 : memref<1x100xi32, #tpu.memory_space<vmem>> -> memref<100xi32, #tpu.memory_space<vmem>>
      %dma_wait3A_278 = arith.constant 0 : i32
      %dma_wait3A_279 = arith.constant 0 : i32
      %dma_wait3A_280 = tpu.memref_slice %arg2[%dma_wait3A_278, %dma_wait3A_279] : memref<10240x128xf32, #tpu.memory_space<hbm>> -> memref<10240x128xf32, #tpu.memory_space<hbm>>
      tpu.wait_indirect_dma semaphore(%arg19 : memref<!tpu.dma_semaphore, #tpu.memory_space<semaphore_mem>>) src(%dma_wait3A_280 : memref<10240x128xf32, #tpu.memory_space<hbm>>) dst(%arg12 : memref<100x128xf32, #tpu.memory_space<vmem>>)
      %run_scoped3A_281 = arith.constant 1 : i32
      "tpu.region"() ({
        %run_scoped3A_292 = tpu.sem_alloc : memref<!tpu.dma_semaphore, #tpu.memory_space<semaphore_mem>>
        %dma_start3A_293 = arith.constant 0 : i32
        %dma_start3A_294 = tpu.memref_slice %arg10[%run_scoped3A_281, %dma_start3A_293] : memref<2x100xi32, #tpu.memory_space<vmem>> -> memref<1x100xi32, #tpu.memory_space<vmem>>
        %dma_start3A_295 = tpu.memref_squeeze %dma_start3A_294 : memref<1x100xi32, #tpu.memory_space<vmem>> -> memref<100xi32, #tpu.memory_space<vmem>>
        %dma_start3A_296 = arith.constant 0 : i32
        %dma_start3A_297 = arith.constant 0 : i32
        %dma_start3A_298 = tpu.memref_slice %arg13[%dma_start3A_296, %dma_start3A_297] : memref<10240x128xf32, #tpu.memory_space<vmem_shared>> -> memref<10240x128xf32, #tpu.memory_space<vmem_shared>>
        tpu.enqueue_indirect_dma source(%arg12 : memref<100x128xf32, #tpu.memory_space<vmem>>) target(%dma_start3A_298 : memref<10240x128xf32, #tpu.memory_space<vmem_shared>>) offsets(%dma_start3A_295 : memref<100xi32, #tpu.memory_space<vmem>>) semaphore(%run_scoped3A_292 : memref<!tpu.dma_semaphore, #tpu.memory_space<semaphore_mem>>) {add = true}
        %dma_wait3A_299 = arith.constant 0 : i32
        %dma_wait3A_300 = tpu.memref_slice %arg10[%run_scoped3A_281, %dma_wait3A_299] : memref<2x100xi32, #tpu.memory_space<vmem>> -> memref<1x100xi32, #tpu.memory_space<vmem>>
        %dma_wait3A_301 = tpu.memref_squeeze %dma_wait3A_300 : memref<1x100xi32, #tpu.memory_space<vmem>> -> memref<100xi32, #tpu.memory_space<vmem>>
        %dma_wait3A_302 = arith.constant 0 : i32
        %dma_wait3A_303 = arith.constant 0 : i32
        %dma_wait3A_304 = tpu.memref_slice %arg13[%dma_wait3A_302, %dma_wait3A_303] : memref<10240x128xf32, #tpu.memory_space<vmem_shared>> -> memref<10240x128xf32, #tpu.memory_space<vmem_shared>>
        tpu.wait_indirect_dma semaphore(%run_scoped3A_292 : memref<!tpu.dma_semaphore, #tpu.memory_space<semaphore_mem>>) src(%arg12 : memref<100x128xf32, #tpu.memory_space<vmem>>) dst(%dma_wait3A_304 : memref<10240x128xf32, #tpu.memory_space<vmem_shared>>)
        tpu.yield
      }) : () -> ()
      %add3A_282 = arith.constant 4 : i32
      %add3A_283 = arith.addi %add3A_257, %add3A_282 : i32
      %dma_start3A_284 = arith.constant 0 : i32
      %dma_start3A_285 = arith.constant 0 : i32
      %dma_start3A_286 = tpu.memref_slice %arg3[%add3A, %add3A_283, %dma_start3A_284, %dma_start3A_285] : memref<32x100x2x100xi32, #tpu.memory_space<hbm>> -> memref<1x1x2x100xi32, #tpu.memory_space<hbm>>
      %dma_start3A_287 = tpu.memref_squeeze %dma_start3A_286 : memref<1x1x2x100xi32, #tpu.memory_space<hbm>> -> memref<2x100xi32, #tpu.memory_space<hbm>>
      %dma_start3A_288 = arith.constant 0 : i32
      %dma_start3A_289 = arith.constant 0 : i32
      %dma_start3A_290 = tpu.memref_slice %arg3[%add3A, %add3A_283, %dma_start3A_288, %dma_start3A_289] : memref<32x100x2x100xi32, #tpu.memory_space<hbm>> -> memref<1x1x2x100xi32, #tpu.memory_space<hbm>>
      %dma_start3A_291 = tpu.memref_squeeze %dma_start3A_290 : memref<1x1x2x100xi32, #tpu.memory_space<hbm>> -> memref<2x100xi32, #tpu.memory_space<hbm>>
      tpu.enqueue_dma source(%dma_start3A_291 : memref<2x100xi32, #tpu.memory_space<hbm>>) target(%arg10 : memref<2x100xi32, #tpu.memory_space<vmem>>) target_semaphore(%arg17 : memref<!tpu.dma_semaphore, #tpu.memory_space<semaphore_mem>>)
    }
    %scan3A_57 = arith.constant 24 : i32
    %dma_wait3A_58 = arith.constant 0 : i32
    %dma_wait3A_59 = arith.constant 0 : i32
    %dma_wait3A_60 = arith.constant 0 : i32
    %dma_wait3A_61 = tpu.memref_slice %arg3[%add3A, %dma_wait3A_58, %dma_wait3A_59, %dma_wait3A_60] : memref<32x100x2x100xi32, #tpu.memory_space<hbm>> -> memref<1x1x2x100xi32, #tpu.memory_space<hbm>>
    %dma_wait3A_62 = tpu.memref_squeeze %dma_wait3A_61 : memref<1x1x2x100xi32, #tpu.memory_space<hbm>> -> memref<2x100xi32, #tpu.memory_space<hbm>>
    %dma_wait3A_63 = arith.constant 0 : i32
    %dma_wait3A_64 = arith.constant 0 : i32
    %dma_wait3A_65 = tpu.memref_slice %arg3[%add3A, %dma_wait3A_58, %dma_wait3A_63, %dma_wait3A_64] : memref<32x100x2x100xi32, #tpu.memory_space<hbm>> -> memref<1x1x2x100xi32, #tpu.memory_space<hbm>>
    %dma_wait3A_66 = tpu.memref_squeeze %dma_wait3A_65 : memref<1x1x2x100xi32, #tpu.memory_space<hbm>> -> memref<2x100xi32, #tpu.memory_space<hbm>>
    tpu.wait_dma2 semaphore(%arg15 : memref<!tpu.dma_semaphore, #tpu.memory_space<semaphore_mem>>) src(%dma_wait3A_66 : memref<2x100xi32, #tpu.memory_space<hbm>>) dst(%arg8 : memref<2x100xi32, #tpu.memory_space<vmem>>)
    %dma_start3A_67 = arith.constant 0 : i32
    %dma_start3A_68 = arith.constant 0 : i32
    %dma_start3A_69 = tpu.memref_slice %arg8[%dma_start3A_67, %dma_start3A_68] : memref<2x100xi32, #tpu.memory_space<vmem>> -> memref<1x100xi32, #tpu.memory_space<vmem>>
    %dma_start3A_70 = tpu.memref_squeeze %dma_start3A_69 : memref<1x100xi32, #tpu.memory_space<vmem>> -> memref<100xi32, #tpu.memory_space<vmem>>
    %dma_start3A_71 = arith.constant 0 : i32
    %dma_start3A_72 = arith.constant 0 : i32
    %dma_start3A_73 = tpu.memref_slice %arg2[%dma_start3A_71, %dma_start3A_72] : memref<10240x128xf32, #tpu.memory_space<hbm>> -> memref<10240x128xf32, #tpu.memory_space<hbm>>
    tpu.enqueue_indirect_dma source(%dma_start3A_73 : memref<10240x128xf32, #tpu.memory_space<hbm>>) target(%arg12 : memref<100x128xf32, #tpu.memory_space<vmem>>) offsets(%dma_start3A_70 : memref<100xi32, #tpu.memory_space<vmem>>) semaphore(%arg19 : memref<!tpu.dma_semaphore, #tpu.memory_space<semaphore_mem>>)
    %dma_wait3A_74 = arith.constant 0 : i32
    %dma_wait3A_75 = arith.constant 0 : i32
    %dma_wait3A_76 = tpu.memref_slice %arg7[%dma_wait3A_74, %dma_wait3A_75] : memref<2x100xi32, #tpu.memory_space<vmem>> -> memref<1x100xi32, #tpu.memory_space<vmem>>
    %dma_wait3A_77 = tpu.memref_squeeze %dma_wait3A_76 : memref<1x100xi32, #tpu.memory_space<vmem>> -> memref<100xi32, #tpu.memory_space<vmem>>
    %dma_wait3A_78 = arith.constant 0 : i32
    %dma_wait3A_79 = arith.constant 0 : i32
    %dma_wait3A_80 = tpu.memref_slice %arg2[%dma_wait3A_78, %dma_wait3A_79] : memref<10240x128xf32, #tpu.memory_space<hbm>> -> memref<10240x128xf32, #tpu.memory_space<hbm>>
    tpu.wait_indirect_dma semaphore(%arg18 : memref<!tpu.dma_semaphore, #tpu.memory_space<semaphore_mem>>) src(%dma_wait3A_80 : memref<10240x128xf32, #tpu.memory_space<hbm>>) dst(%arg11 : memref<100x128xf32, #tpu.memory_space<vmem>>)
    %run_scoped3A = arith.constant 1 : i32
    "tpu.region"() ({
      %run_scoped3A_145 = tpu.sem_alloc : memref<!tpu.dma_semaphore, #tpu.memory_space<semaphore_mem>>
      %dma_start3A_146 = arith.constant 0 : i32
      %dma_start3A_147 = tpu.memref_slice %arg7[%run_scoped3A, %dma_start3A_146] : memref<2x100xi32, #tpu.memory_space<vmem>> -> memref<1x100xi32, #tpu.memory_space<vmem>>
      %dma_start3A_148 = tpu.memref_squeeze %dma_start3A_147 : memref<1x100xi32, #tpu.memory_space<vmem>> -> memref<100xi32, #tpu.memory_space<vmem>>
      %dma_start3A_149 = arith.constant 0 : i32
      %dma_start3A_150 = arith.constant 0 : i32
      %dma_start3A_151 = tpu.memref_slice %arg13[%dma_start3A_149, %dma_start3A_150] : memref<10240x128xf32, #tpu.memory_space<vmem_shared>> -> memref<10240x128xf32, #tpu.memory_space<vmem_shared>>
      tpu.enqueue_indirect_dma source(%arg11 : memref<100x128xf32, #tpu.memory_space<vmem>>) target(%dma_start3A_151 : memref<10240x128xf32, #tpu.memory_space<vmem_shared>>) offsets(%dma_start3A_148 : memref<100xi32, #tpu.memory_space<vmem>>) semaphore(%run_scoped3A_145 : memref<!tpu.dma_semaphore, #tpu.memory_space<semaphore_mem>>) {add = true}
      %dma_wait3A_152 = arith.constant 0 : i32
      %dma_wait3A_153 = tpu.memref_slice %arg7[%run_scoped3A, %dma_wait3A_152] : memref<2x100xi32, #tpu.memory_space<vmem>> -> memref<1x100xi32, #tpu.memory_space<vmem>>
      %dma_wait3A_154 = tpu.memref_squeeze %dma_wait3A_153 : memref<1x100xi32, #tpu.memory_space<vmem>> -> memref<100xi32, #tpu.memory_space<vmem>>
      %dma_wait3A_155 = arith.constant 0 : i32
      %dma_wait3A_156 = arith.constant 0 : i32
      %dma_wait3A_157 = tpu.memref_slice %arg13[%dma_wait3A_155, %dma_wait3A_156] : memref<10240x128xf32, #tpu.memory_space<vmem_shared>> -> memref<10240x128xf32, #tpu.memory_space<vmem_shared>>
      tpu.wait_indirect_dma semaphore(%run_scoped3A_145 : memref<!tpu.dma_semaphore, #tpu.memory_space<semaphore_mem>>) src(%arg11 : memref<100x128xf32, #tpu.memory_space<vmem>>) dst(%dma_wait3A_157 : memref<10240x128xf32, #tpu.memory_space<vmem_shared>>)
      tpu.yield
    }) : () -> ()
    %dma_wait3A_81 = arith.constant 0 : i32
    %dma_wait3A_82 = arith.constant 0 : i32
    %dma_wait3A_83 = arith.constant 0 : i32
    %dma_wait3A_84 = tpu.memref_slice %arg3[%add3A, %dma_wait3A_81, %dma_wait3A_82, %dma_wait3A_83] : memref<32x100x2x100xi32, #tpu.memory_space<hbm>> -> memref<1x1x2x100xi32, #tpu.memory_space<hbm>>
    %dma_wait3A_85 = tpu.memref_squeeze %dma_wait3A_84 : memref<1x1x2x100xi32, #tpu.memory_space<hbm>> -> memref<2x100xi32, #tpu.memory_space<hbm>>
    %dma_wait3A_86 = arith.constant 0 : i32
    %dma_wait3A_87 = arith.constant 0 : i32
    %dma_wait3A_88 = tpu.memref_slice %arg3[%add3A, %dma_wait3A_81, %dma_wait3A_86, %dma_wait3A_87] : memref<32x100x2x100xi32, #tpu.memory_space<hbm>> -> memref<1x1x2x100xi32, #tpu.memory_space<hbm>>
    %dma_wait3A_89 = tpu.memref_squeeze %dma_wait3A_88 : memref<1x1x2x100xi32, #tpu.memory_space<hbm>> -> memref<2x100xi32, #tpu.memory_space<hbm>>
    tpu.wait_dma2 semaphore(%arg16 : memref<!tpu.dma_semaphore, #tpu.memory_space<semaphore_mem>>) src(%dma_wait3A_89 : memref<2x100xi32, #tpu.memory_space<hbm>>) dst(%arg9 : memref<2x100xi32, #tpu.memory_space<vmem>>)
    %dma_start3A_90 = arith.constant 0 : i32
    %dma_start3A_91 = arith.constant 0 : i32
    %dma_start3A_92 = tpu.memref_slice %arg9[%dma_start3A_90, %dma_start3A_91] : memref<2x100xi32, #tpu.memory_space<vmem>> -> memref<1x100xi32, #tpu.memory_space<vmem>>
    %dma_start3A_93 = tpu.memref_squeeze %dma_start3A_92 : memref<1x100xi32, #tpu.memory_space<vmem>> -> memref<100xi32, #tpu.memory_space<vmem>>
    %dma_start3A_94 = arith.constant 0 : i32
    %dma_start3A_95 = arith.constant 0 : i32
    %dma_start3A_96 = tpu.memref_slice %arg2[%dma_start3A_94, %dma_start3A_95] : memref<10240x128xf32, #tpu.memory_space<hbm>> -> memref<10240x128xf32, #tpu.memory_space<hbm>>
    tpu.enqueue_indirect_dma source(%dma_start3A_96 : memref<10240x128xf32, #tpu.memory_space<hbm>>) target(%arg11 : memref<100x128xf32, #tpu.memory_space<vmem>>) offsets(%dma_start3A_93 : memref<100xi32, #tpu.memory_space<vmem>>) semaphore(%arg18 : memref<!tpu.dma_semaphore, #tpu.memory_space<semaphore_mem>>)
    %dma_wait3A_97 = arith.constant 0 : i32
    %dma_wait3A_98 = arith.constant 0 : i32
    %dma_wait3A_99 = tpu.memref_slice %arg7[%dma_wait3A_97, %dma_wait3A_98] : memref<2x100xi32, #tpu.memory_space<vmem>> -> memref<1x100xi32, #tpu.memory_space<vmem>>
    %dma_wait3A_100 = tpu.memref_squeeze %dma_wait3A_99 : memref<1x100xi32, #tpu.memory_space<vmem>> -> memref<100xi32, #tpu.memory_space<vmem>>
    %dma_wait3A_101 = arith.constant 0 : i32
    %dma_wait3A_102 = arith.constant 0 : i32
    %dma_wait3A_103 = tpu.memref_slice %arg2[%dma_wait3A_101, %dma_wait3A_102] : memref<10240x128xf32, #tpu.memory_space<hbm>> -> memref<10240x128xf32, #tpu.memory_space<hbm>>
    tpu.wait_indirect_dma semaphore(%arg19 : memref<!tpu.dma_semaphore, #tpu.memory_space<semaphore_mem>>) src(%dma_wait3A_103 : memref<10240x128xf32, #tpu.memory_space<hbm>>) dst(%arg12 : memref<100x128xf32, #tpu.memory_space<vmem>>)
    %run_scoped3A_104 = arith.constant 1 : i32
    "tpu.region"() ({
      %run_scoped3A_145 = tpu.sem_alloc : memref<!tpu.dma_semaphore, #tpu.memory_space<semaphore_mem>>
      %dma_start3A_146 = arith.constant 0 : i32
      %dma_start3A_147 = tpu.memref_slice %arg8[%run_scoped3A_104, %dma_start3A_146] : memref<2x100xi32, #tpu.memory_space<vmem>> -> memref<1x100xi32, #tpu.memory_space<vmem>>
      %dma_start3A_148 = tpu.memref_squeeze %dma_start3A_147 : memref<1x100xi32, #tpu.memory_space<vmem>> -> memref<100xi32, #tpu.memory_space<vmem>>
      %dma_start3A_149 = arith.constant 0 : i32
      %dma_start3A_150 = arith.constant 0 : i32
      %dma_start3A_151 = tpu.memref_slice %arg13[%dma_start3A_149, %dma_start3A_150] : memref<10240x128xf32, #tpu.memory_space<vmem_shared>> -> memref<10240x128xf32, #tpu.memory_space<vmem_shared>>
      tpu.enqueue_indirect_dma source(%arg12 : memref<100x128xf32, #tpu.memory_space<vmem>>) target(%dma_start3A_151 : memref<10240x128xf32, #tpu.memory_space<vmem_shared>>) offsets(%dma_start3A_148 : memref<100xi32, #tpu.memory_space<vmem>>) semaphore(%run_scoped3A_145 : memref<!tpu.dma_semaphore, #tpu.memory_space<semaphore_mem>>) {add = true}
      %dma_wait3A_152 = arith.constant 0 : i32
      %dma_wait3A_153 = tpu.memref_slice %arg8[%run_scoped3A_104, %dma_wait3A_152] : memref<2x100xi32, #tpu.memory_space<vmem>> -> memref<1x100xi32, #tpu.memory_space<vmem>>
      %dma_wait3A_154 = tpu.memref_squeeze %dma_wait3A_153 : memref<1x100xi32, #tpu.memory_space<vmem>> -> memref<100xi32, #tpu.memory_space<vmem>>
      %dma_wait3A_155 = arith.constant 0 : i32
      %dma_wait3A_156 = arith.constant 0 : i32
      %dma_wait3A_157 = tpu.memref_slice %arg13[%dma_wait3A_155, %dma_wait3A_156] : memref<10240x128xf32, #tpu.memory_space<vmem_shared>> -> memref<10240x128xf32, #tpu.memory_space<vmem_shared>>
      tpu.wait_indirect_dma semaphore(%run_scoped3A_145 : memref<!tpu.dma_semaphore, #tpu.memory_space<semaphore_mem>>) src(%arg12 : memref<100x128xf32, #tpu.memory_space<vmem>>) dst(%dma_wait3A_157 : memref<10240x128xf32, #tpu.memory_space<vmem_shared>>)
      tpu.yield
    }) : () -> ()
    %dma_wait3A_105 = arith.constant 0 : i32
    %dma_wait3A_106 = arith.constant 0 : i32
    %dma_wait3A_107 = arith.constant 0 : i32
    %dma_wait3A_108 = tpu.memref_slice %arg3[%add3A, %dma_wait3A_105, %dma_wait3A_106, %dma_wait3A_107] : memref<32x100x2x100xi32, #tpu.memory_space<hbm>> -> memref<1x1x2x100xi32, #tpu.memory_space<hbm>>
    %dma_wait3A_109 = tpu.memref_squeeze %dma_wait3A_108 : memref<1x1x2x100xi32, #tpu.memory_space<hbm>> -> memref<2x100xi32, #tpu.memory_space<hbm>>
    %dma_wait3A_110 = arith.constant 0 : i32
    %dma_wait3A_111 = arith.constant 0 : i32
    %dma_wait3A_112 = tpu.memref_slice %arg3[%add3A, %dma_wait3A_105, %dma_wait3A_110, %dma_wait3A_111] : memref<32x100x2x100xi32, #tpu.memory_space<hbm>> -> memref<1x1x2x100xi32, #tpu.memory_space<hbm>>
    %dma_wait3A_113 = tpu.memref_squeeze %dma_wait3A_112 : memref<1x1x2x100xi32, #tpu.memory_space<hbm>> -> memref<2x100xi32, #tpu.memory_space<hbm>>
    tpu.wait_dma2 semaphore(%arg17 : memref<!tpu.dma_semaphore, #tpu.memory_space<semaphore_mem>>) src(%dma_wait3A_113 : memref<2x100xi32, #tpu.memory_space<hbm>>) dst(%arg10 : memref<2x100xi32, #tpu.memory_space<vmem>>)
    %dma_start3A_114 = arith.constant 0 : i32
    %dma_start3A_115 = arith.constant 0 : i32
    %dma_start3A_116 = tpu.memref_slice %arg10[%dma_start3A_114, %dma_start3A_115] : memref<2x100xi32, #tpu.memory_space<vmem>> -> memref<1x100xi32, #tpu.memory_space<vmem>>
    %dma_start3A_117 = tpu.memref_squeeze %dma_start3A_116 : memref<1x100xi32, #tpu.memory_space<vmem>> -> memref<100xi32, #tpu.memory_space<vmem>>
    %dma_start3A_118 = arith.constant 0 : i32
    %dma_start3A_119 = arith.constant 0 : i32
    %dma_start3A_120 = tpu.memref_slice %arg2[%dma_start3A_118, %dma_start3A_119] : memref<10240x128xf32, #tpu.memory_space<hbm>> -> memref<10240x128xf32, #tpu.memory_space<hbm>>
    tpu.enqueue_indirect_dma source(%dma_start3A_120 : memref<10240x128xf32, #tpu.memory_space<hbm>>) target(%arg12 : memref<100x128xf32, #tpu.memory_space<vmem>>) offsets(%dma_start3A_117 : memref<100xi32, #tpu.memory_space<vmem>>) semaphore(%arg19 : memref<!tpu.dma_semaphore, #tpu.memory_space<semaphore_mem>>)
    %dma_wait3A_121 = arith.constant 0 : i32
    %dma_wait3A_122 = arith.constant 0 : i32
    %dma_wait3A_123 = tpu.memref_slice %arg7[%dma_wait3A_121, %dma_wait3A_122] : memref<2x100xi32, #tpu.memory_space<vmem>> -> memref<1x100xi32, #tpu.memory_space<vmem>>
    %dma_wait3A_124 = tpu.memref_squeeze %dma_wait3A_123 : memref<1x100xi32, #tpu.memory_space<vmem>> -> memref<100xi32, #tpu.memory_space<vmem>>
    %dma_wait3A_125 = arith.constant 0 : i32
    %dma_wait3A_126 = arith.constant 0 : i32
    %dma_wait3A_127 = tpu.memref_slice %arg2[%dma_wait3A_125, %dma_wait3A_126] : memref<10240x128xf32, #tpu.memory_space<hbm>> -> memref<10240x128xf32, #tpu.memory_space<hbm>>
    tpu.wait_indirect_dma semaphore(%arg18 : memref<!tpu.dma_semaphore, #tpu.memory_space<semaphore_mem>>) src(%dma_wait3A_127 : memref<10240x128xf32, #tpu.memory_space<hbm>>) dst(%arg11 : memref<100x128xf32, #tpu.memory_space<vmem>>)
    %run_scoped3A_128 = arith.constant 1 : i32
    "tpu.region"() ({
      %run_scoped3A_145 = tpu.sem_alloc : memref<!tpu.dma_semaphore, #tpu.memory_space<semaphore_mem>>
      %dma_start3A_146 = arith.constant 0 : i32
      %dma_start3A_147 = tpu.memref_slice %arg9[%run_scoped3A_128, %dma_start3A_146] : memref<2x100xi32, #tpu.memory_space<vmem>> -> memref<1x100xi32, #tpu.memory_space<vmem>>
      %dma_start3A_148 = tpu.memref_squeeze %dma_start3A_147 : memref<1x100xi32, #tpu.memory_space<vmem>> -> memref<100xi32, #tpu.memory_space<vmem>>
      %dma_start3A_149 = arith.constant 0 : i32
      %dma_start3A_150 = arith.constant 0 : i32
      %dma_start3A_151 = tpu.memref_slice %arg13[%dma_start3A_149, %dma_start3A_150] : memref<10240x128xf32, #tpu.memory_space<vmem_shared>> -> memref<10240x128xf32, #tpu.memory_space<vmem_shared>>
      tpu.enqueue_indirect_dma source(%arg11 : memref<100x128xf32, #tpu.memory_space<vmem>>) target(%dma_start3A_151 : memref<10240x128xf32, #tpu.memory_space<vmem_shared>>) offsets(%dma_start3A_148 : memref<100xi32, #tpu.memory_space<vmem>>) semaphore(%run_scoped3A_145 : memref<!tpu.dma_semaphore, #tpu.memory_space<semaphore_mem>>) {add = true}
      %dma_wait3A_152 = arith.constant 0 : i32
      %dma_wait3A_153 = tpu.memref_slice %arg9[%run_scoped3A_128, %dma_wait3A_152] : memref<2x100xi32, #tpu.memory_space<vmem>> -> memref<1x100xi32, #tpu.memory_space<vmem>>
      %dma_wait3A_154 = tpu.memref_squeeze %dma_wait3A_153 : memref<1x100xi32, #tpu.memory_space<vmem>> -> memref<100xi32, #tpu.memory_space<vmem>>
      %dma_wait3A_155 = arith.constant 0 : i32
      %dma_wait3A_156 = arith.constant 0 : i32
      %dma_wait3A_157 = tpu.memref_slice %arg13[%dma_wait3A_155, %dma_wait3A_156] : memref<10240x128xf32, #tpu.memory_space<vmem_shared>> -> memref<10240x128xf32, #tpu.memory_space<vmem_shared>>
      tpu.wait_indirect_dma semaphore(%run_scoped3A_145 : memref<!tpu.dma_semaphore, #tpu.memory_space<semaphore_mem>>) src(%arg11 : memref<100x128xf32, #tpu.memory_space<vmem>>) dst(%dma_wait3A_157 : memref<10240x128xf32, #tpu.memory_space<vmem_shared>>)
      tpu.yield
    }) : () -> ()
    %dma_wait3A_129 = arith.constant 0 : i32
    %dma_wait3A_130 = arith.constant 0 : i32
    %dma_wait3A_131 = tpu.memref_slice %arg7[%dma_wait3A_129, %dma_wait3A_130] : memref<2x100xi32, #tpu.memory_space<vmem>> -> memref<1x100xi32, #tpu.memory_space<vmem>>
    %dma_wait3A_132 = tpu.memref_squeeze %dma_wait3A_131 : memref<1x100xi32, #tpu.memory_space<vmem>> -> memref<100xi32, #tpu.memory_space<vmem>>
    %dma_wait3A_133 = arith.constant 0 : i32
    %dma_wait3A_134 = arith.constant 0 : i32
    %dma_wait3A_135 = tpu.memref_slice %arg2[%dma_wait3A_133, %dma_wait3A_134] : memref<10240x128xf32, #tpu.memory_space<hbm>> -> memref<10240x128xf32, #tpu.memory_space<hbm>>
    tpu.wait_indirect_dma semaphore(%arg19 : memref<!tpu.dma_semaphore, #tpu.memory_space<semaphore_mem>>) src(%dma_wait3A_135 : memref<10240x128xf32, #tpu.memory_space<hbm>>) dst(%arg12 : memref<100x128xf32, #tpu.memory_space<vmem>>)
    %run_scoped3A_136 = arith.constant 1 : i32
    "tpu.region"() ({
      %run_scoped3A_145 = tpu.sem_alloc : memref<!tpu.dma_semaphore, #tpu.memory_space<semaphore_mem>>
      %dma_start3A_146 = arith.constant 0 : i32
      %dma_start3A_147 = tpu.memref_slice %arg10[%run_scoped3A_136, %dma_start3A_146] : memref<2x100xi32, #tpu.memory_space<vmem>> -> memref<1x100xi32, #tpu.memory_space<vmem>>
      %dma_start3A_148 = tpu.memref_squeeze %dma_start3A_147 : memref<1x100xi32, #tpu.memory_space<vmem>> -> memref<100xi32, #tpu.memory_space<vmem>>
      %dma_start3A_149 = arith.constant 0 : i32
      %dma_start3A_150 = arith.constant 0 : i32
      %dma_start3A_151 = tpu.memref_slice %arg13[%dma_start3A_149, %dma_start3A_150] : memref<10240x128xf32, #tpu.memory_space<vmem_shared>> -> memref<10240x128xf32, #tpu.memory_space<vmem_shared>>
      tpu.enqueue_indirect_dma source(%arg12 : memref<100x128xf32, #tpu.memory_space<vmem>>) target(%dma_start3A_151 : memref<10240x128xf32, #tpu.memory_space<vmem_shared>>) offsets(%dma_start3A_148 : memref<100xi32, #tpu.memory_space<vmem>>) semaphore(%run_scoped3A_145 : memref<!tpu.dma_semaphore, #tpu.memory_space<semaphore_mem>>) {add = true}
      %dma_wait3A_152 = arith.constant 0 : i32
      %dma_wait3A_153 = tpu.memref_slice %arg10[%run_scoped3A_136, %dma_wait3A_152] : memref<2x100xi32, #tpu.memory_space<vmem>> -> memref<1x100xi32, #tpu.memory_space<vmem>>
      %dma_wait3A_154 = tpu.memref_squeeze %dma_wait3A_153 : memref<1x100xi32, #tpu.memory_space<vmem>> -> memref<100xi32, #tpu.memory_space<vmem>>
      %dma_wait3A_155 = arith.constant 0 : i32
      %dma_wait3A_156 = arith.constant 0 : i32
      %dma_wait3A_157 = tpu.memref_slice %arg13[%dma_wait3A_155, %dma_wait3A_156] : memref<10240x128xf32, #tpu.memory_space<vmem_shared>> -> memref<10240x128xf32, #tpu.memory_space<vmem_shared>>
      tpu.wait_indirect_dma semaphore(%run_scoped3A_145 : memref<!tpu.dma_semaphore, #tpu.memory_space<semaphore_mem>>) src(%arg12 : memref<100x128xf32, #tpu.memory_space<vmem>>) dst(%dma_wait3A_157 : memref<10240x128xf32, #tpu.memory_space<vmem_shared>>)
      tpu.yield
    }) : () -> ()
    %barrier3A_137 = arith.constant 0 : index
    tpu.barrier barrier_id(%barrier3A_137)
    %eq3A = arith.constant 0 : i32
    %eq3A_138 = arith.cmpi eq, %arg0, %eq3A : i32
    %convert_element_type3A = arith.extui %eq3A_138 : i1 to i32
    %cond3A = arith.constant 0 : i32
    %cond3A_139 = arith.cmpi ne, %convert_element_type3A, %cond3A : i32
    scf.if %cond3A_139 {
      %mul3A_145 = arith.constant 640 : i32
      %mul3A_146 = arith.muli %arg1, %mul3A_145 : i32
      %mul3A_147 = arith.constant 640 : i32
      %mul3A_148 = arith.muli %arg1, %mul3A_147 : i32
      "tpu.region"() ({
        %run_scoped3A_149 = tpu.sem_alloc : memref<!tpu.dma_semaphore, #tpu.memory_space<semaphore_mem>>
        %dma_start3A_150 = arith.constant 0 : i32
        %dma_start3A_151 = tpu.memref_slice %arg5[%mul3A_148, %dma_start3A_150] : memref<10240x128xf32, #tpu.memory_space<hbm>> -> memref<640x128xf32, #tpu.memory_space<hbm>>
        %dma_start3A_152 = arith.constant 0 : i32
        %dma_start3A_153 = tpu.memref_slice %arg13[%mul3A_146, %dma_start3A_152] : memref<10240x128xf32, #tpu.memory_space<vmem_shared>> -> memref<640x128xf32, #tpu.memory_space<vmem_shared>>
        tpu.enqueue_dma source(%dma_start3A_153 : memref<640x128xf32, #tpu.memory_space<vmem_shared>>) target(%dma_start3A_151 : memref<640x128xf32, #tpu.memory_space<hbm>>) target_semaphore(%run_scoped3A_149 : memref<!tpu.dma_semaphore, #tpu.memory_space<semaphore_mem>>)
        %dma_wait3A_154 = arith.constant 0 : i32
        %dma_wait3A_155 = tpu.memref_slice %arg5[%mul3A_148, %dma_wait3A_154] : memref<10240x128xf32, #tpu.memory_space<hbm>> -> memref<640x128xf32, #tpu.memory_space<hbm>>
        %dma_wait3A_156 = arith.constant 0 : i32
        %dma_wait3A_157 = tpu.memref_slice %arg13[%mul3A_146, %dma_wait3A_156] : memref<10240x128xf32, #tpu.memory_space<vmem_shared>> -> memref<640x128xf32, #tpu.memory_space<vmem_shared>>
        tpu.wait_dma2 semaphore(%run_scoped3A_149 : memref<!tpu.dma_semaphore, #tpu.memory_space<semaphore_mem>>) src(%dma_wait3A_157 : memref<640x128xf32, #tpu.memory_space<vmem_shared>>) dst(%dma_wait3A_155 : memref<640x128xf32, #tpu.memory_space<hbm>>)
        tpu.yield
      }) : () -> ()
    } else {
    }
    %eq3A_140 = arith.constant 1 : i32
    %eq3A_141 = arith.cmpi eq, %arg0, %eq3A_140 : i32
    %convert_element_type3A_142 = arith.extui %eq3A_141 : i1 to i32
    %cond3A_143 = arith.constant 0 : i32
    %cond3A_144 = arith.cmpi ne, %convert_element_type3A_142, %cond3A_143 : i32
    scf.if %cond3A_144 {
      %mul3A_145 = arith.constant 640 : i32
      %mul3A_146 = arith.muli %arg1, %mul3A_145 : i32
      %mul3A_147 = arith.constant 640 : i32
      %mul3A_148 = arith.muli %arg1, %mul3A_147 : i32
      "tpu.region"() ({
        %run_scoped3A_149 = tpu.sem_alloc : memref<!tpu.dma_semaphore, #tpu.memory_space<semaphore_mem>>
        %dma_start3A_150 = arith.constant 0 : i32
        %dma_start3A_151 = tpu.memref_slice %arg6[%mul3A_148, %dma_start3A_150] : memref<10240x128xf32, #tpu.memory_space<hbm>> -> memref<640x128xf32, #tpu.memory_space<hbm>>
        %dma_start3A_152 = arith.constant 0 : i32
        %dma_start3A_153 = tpu.memref_slice %arg13[%mul3A_146, %dma_start3A_152] : memref<10240x128xf32, #tpu.memory_space<vmem_shared>> -> memref<640x128xf32, #tpu.memory_space<vmem_shared>>
        tpu.enqueue_dma source(%dma_start3A_153 : memref<640x128xf32, #tpu.memory_space<vmem_shared>>) target(%dma_start3A_151 : memref<640x128xf32, #tpu.memory_space<hbm>>) target_semaphore(%run_scoped3A_149 : memref<!tpu.dma_semaphore, #tpu.memory_space<semaphore_mem>>)
        %dma_wait3A_154 = arith.constant 0 : i32
        %dma_wait3A_155 = tpu.memref_slice %arg6[%mul3A_148, %dma_wait3A_154] : memref<10240x128xf32, #tpu.memory_space<hbm>> -> memref<640x128xf32, #tpu.memory_space<hbm>>
        %dma_wait3A_156 = arith.constant 0 : i32
        %dma_wait3A_157 = tpu.memref_slice %arg13[%mul3A_146, %dma_wait3A_156] : memref<10240x128xf32, #tpu.memory_space<vmem_shared>> -> memref<640x128xf32, #tpu.memory_space<vmem_shared>>
        tpu.wait_dma2 semaphore(%run_scoped3A_149 : memref<!tpu.dma_semaphore, #tpu.memory_space<semaphore_mem>>) src(%dma_wait3A_157 : memref<640x128xf32, #tpu.memory_space<vmem_shared>>) dst(%dma_wait3A_155 : memref<640x128xf32, #tpu.memory_space<hbm>>)
        tpu.yield
      }) : () -> ()
    } else {
    }
    return
  }
}

module attributes {stable_mosaic.version = 14 : i64} {
  func.func @_prep_body(%arg0: i32, %arg1: memref<32x1280xi32, #tpu.memory_space<vmem>>, %arg2: memref<1280x128xf32, #tpu.memory_space<vmem>>, %arg3: memref<128x128xf32, #tpu.memory_space<vmem>>, %arg4: memref<1280x128xf32, #tpu.memory_space<vmem>>, %arg5: memref<1x1x1280xf32, #tpu.memory_space<vmem>>) attributes {dimension_semantics = [#tpu.dimension_semantics<arbitrary>], iteration_bounds = array<i64: 8>, scalar_prefetch = 0 : i64, scratch_operands = 0 : i64, tpu.core_type = #tpu.core_type<tc>, window_params = [{transform_indices = @transform_0, window_bounds = array<i64: 32, 1280>}, {transform_indices = @transform_1, window_bounds = array<i64: 1280, 128>}, {pipeline_mode = #tpu.pipeline_mode<synchronous>, transform_indices = @transform_2, window_bounds = array<i64: 128, 128>}, {transform_indices = @transform_3, window_bounds = array<i64: 1280, 128>}, {transform_indices = @transform_4, window_bounds = array<i64: 1, 1, 1280>}]} {
    %get3A = arith.constant 0 : index
    %get3A_0 = arith.constant 0 : index
    %get3A_1 = vector.load %arg1[%get3A, %get3A_0] : memref<32x1280xi32, #tpu.memory_space<vmem>>, vector<32x1280xi32>
    %convert_element_type3A = arith.sitofp %get3A_1 : vector<32x1280xi32> to vector<32x1280xf32>
    %reduce_sum3A = arith.constant dense<0.000000e+00> : vector<1280xf32>
    %reduce_sum3A_2 = vector.multi_reduction <add>, %convert_element_type3A, %reduce_sum3A [0] : vector<32x1280xf32> to vector<1280xf32>
    %broadcast_in_dim3A = vector.shape_cast %reduce_sum3A_2 : vector<1280xf32> to vector<1x1280xf32>
    %add3A = arith.constant 1.000000e+00 : f32
    %add3A_3 = vector.broadcast %add3A : f32 to vector<1x1280xf32>
    %add3A_4 = arith.addf %add3A_3, %broadcast_in_dim3A : vector<1x1280xf32>
    %rsqrt3A = math.rsqrt %add3A_4 : vector<1x1280xf32>
    %reshape3A = vector.shape_cast %rsqrt3A : vector<1x1280xf32> to vector<1280x1xf32>
    %get3A_5 = arith.constant 0 : index
    %get3A_6 = arith.constant 0 : index
    %get3A_7 = vector.load %arg2[%get3A_5, %get3A_6] : memref<1280x128xf32, #tpu.memory_space<vmem>>, vector<1280x128xf32>
    %get3A_8 = arith.constant 0 : index
    %get3A_9 = arith.constant 0 : index
    %get3A_10 = vector.load %arg3[%get3A_8, %get3A_9] : memref<128x128xf32, #tpu.memory_space<vmem>>, vector<128x128xf32>
    %dot_general3A = arith.constant dense<0.000000e+00> : vector<1280x128xf32>
    %dot_general3A_11 = tpu.matmul %get3A_7, %get3A_10, %dot_general3A {dimension_numbers = #tpu.dot_dimension_numbers<[1], [0], [0], [1], [0, 0, 1, 1], [], []>, transpose_lhs_hint = false} : vector<1280x128xf32>, vector<128x128xf32>, vector<1280x128xf32> -> vector<1280x128xf32>
    %mul3A = vector.broadcast %reshape3A : vector<1280x1xf32> to vector<1280x128xf32>
    %mul3A_12 = arith.mulf %dot_general3A_11, %mul3A : vector<1280x128xf32>
    %swap3A = arith.constant 0 : index
    %swap3A_13 = arith.constant 0 : index
    %swap3A_14 = vector.load %arg4[%swap3A, %swap3A_13] : memref<1280x128xf32, #tpu.memory_space<vmem>>, vector<1280x128xf32>
    tpu.vector_store %arg4[%swap3A, %swap3A_13], %mul3A_12 {strides = array<i32>} : memref<1280x128xf32, #tpu.memory_space<vmem>>, vector<1280x128xf32>,
    %reshape3A_15 = vector.shape_cast %rsqrt3A : vector<1x1280xf32> to vector<1x1x1280xf32>
    %swap3A_16 = arith.constant 0 : index
    %swap3A_17 = arith.constant 0 : index
    %swap3A_18 = arith.constant 0 : index
    %swap3A_19 = vector.load %arg5[%swap3A_16, %swap3A_17, %swap3A_18] : memref<1x1x1280xf32, #tpu.memory_space<vmem>>, vector<1x1x1280xf32>
    tpu.vector_store %arg5[%swap3A_16, %swap3A_17, %swap3A_18], %reshape3A_15 {strides = array<i32>} : memref<1x1x1280xf32, #tpu.memory_space<vmem>>, vector<1x1x1280xf32>,
    return
  }
  func.func @transform_0(%arg0: i32) -> (i32, i32) {
    %c0_i32 = arith.constant 0 : i32
    %c0_i32_0 = arith.constant 0 : i32
    return %c0_i32, %arg0 : i32, i32
  }
  func.func @transform_1(%arg0: i32) -> (i32, i32) {
    %c0_i32 = arith.constant 0 : i32
    %c0_i32_0 = arith.constant 0 : i32
    return %arg0, %c0_i32 : i32, i32
  }
  func.func @transform_2(%arg0: i32) -> (i32, i32) {
    %c0_i32 = arith.constant 0 : i32
    %c0_i32_0 = arith.constant 0 : i32
    %c0_i32_1 = arith.constant 0 : i32
    return %c0_i32, %c0_i32_0 : i32, i32
  }
  func.func @transform_3(%arg0: i32) -> (i32, i32) {
    %c0_i32 = arith.constant 0 : i32
    %c0_i32_0 = arith.constant 0 : i32
    return %arg0, %c0_i32 : i32, i32
  }
  func.func @transform_4(%arg0: i32) -> (i32, i32, i32) {
    %c0_i32 = arith.constant 0 : i32
    %c0_i32_0 = arith.constant 0 : i32
    %c0_i32_1 = arith.constant 0 : i32
    return %arg0, %c0_i32, %c0_i32_0 : i32, i32, i32
  }
}

module attributes {stable_mosaic.version = 14 : i64} {
  func.func @_fin_body(%arg0: i32, %arg1: memref<400x128xf32, #tpu.memory_space<vmem>>, %arg2: memref<400x128xf32, #tpu.memory_space<vmem>>, %arg3: memref<400x128xf32, #tpu.memory_space<vmem>>, %arg4: memref<400x1xf32, #tpu.memory_space<vmem>>, %arg5: memref<1x128xf32, #tpu.memory_space<vmem>>, %arg6: memref<400x128xf32, #tpu.memory_space<vmem>>) attributes {dimension_semantics = [#tpu.dimension_semantics<arbitrary>], iteration_bounds = array<i64: 25>, scalar_prefetch = 0 : i64, scratch_operands = 0 : i64, tpu.core_type = #tpu.core_type<tc>, window_params = [{transform_indices = @transform_0, window_bounds = array<i64: 400, 128>}, {transform_indices = @transform_1, window_bounds = array<i64: 400, 128>}, {transform_indices = @transform_2, window_bounds = array<i64: 400, 128>}, {transform_indices = @transform_3, window_bounds = array<i64: 400, 1>}, {pipeline_mode = #tpu.pipeline_mode<synchronous>, transform_indices = @transform_4, window_bounds = array<i64: 1, 128>}, {transform_indices = @transform_5, window_bounds = array<i64: 400, 128>}]} {
    %get3A = arith.constant 0 : index
    %get3A_0 = arith.constant 0 : index
    %get3A_1 = vector.load %arg1[%get3A, %get3A_0] : memref<400x128xf32, #tpu.memory_space<vmem>>, vector<400x128xf32>
    %get3A_2 = arith.constant 0 : index
    %get3A_3 = arith.constant 0 : index
    %get3A_4 = vector.load %arg2[%get3A_2, %get3A_3] : memref<400x128xf32, #tpu.memory_space<vmem>>, vector<400x128xf32>
    %add3A = arith.addf %get3A_1, %get3A_4 : vector<400x128xf32>
    %get3A_5 = arith.constant 0 : index
    %get3A_6 = arith.constant 0 : index
    %get3A_7 = vector.load %arg3[%get3A_5, %get3A_6] : memref<400x128xf32, #tpu.memory_space<vmem>>, vector<400x128xf32>
    %add3A_8 = arith.addf %add3A, %get3A_7 : vector<400x128xf32>
    %get3A_9 = arith.constant 0 : index
    %get3A_10 = arith.constant 0 : index
    %get3A_11 = vector.load %arg4[%get3A_9, %get3A_10] : memref<400x1xf32, #tpu.memory_space<vmem>>, vector<400x1xf32>
    %mul3A = vector.broadcast %get3A_11 : vector<400x1xf32> to vector<400x128xf32>
    %mul3A_12 = arith.mulf %add3A_8, %mul3A : vector<400x128xf32>
    %get3A_13 = arith.constant 0 : index
    %get3A_14 = arith.constant 0 : index
    %get3A_15 = vector.load %arg5[%get3A_13, %get3A_14] : memref<1x128xf32, #tpu.memory_space<vmem>>, vector<1x128xf32>
    %add3A_16 = vector.broadcast %get3A_15 : vector<1x128xf32> to vector<400x128xf32>
    %add3A_17 = arith.addf %mul3A_12, %add3A_16 : vector<400x128xf32>
    %max3A = arith.constant 0.000000e+00 : f32
    %max3A_18 = vector.broadcast %max3A : f32 to vector<400x128xf32>
    %max3A_19 = arith.maximumf %add3A_17, %max3A_18 : vector<400x128xf32>
    %swap3A = arith.constant 0 : index
    %swap3A_20 = arith.constant 0 : index
    %swap3A_21 = vector.load %arg6[%swap3A, %swap3A_20] : memref<400x128xf32, #tpu.memory_space<vmem>>, vector<400x128xf32>
    tpu.vector_store %arg6[%swap3A, %swap3A_20], %max3A_19 {strides = array<i32>} : memref<400x128xf32, #tpu.memory_space<vmem>>, vector<400x128xf32>,
    return
  }
  func.func @transform_0(%arg0: i32) -> (i32, i32) {
    %c0_i32 = arith.constant 0 : i32
    %c0_i32_0 = arith.constant 0 : i32
    return %arg0, %c0_i32 : i32, i32
  }
  func.func @transform_1(%arg0: i32) -> (i32, i32) {
    %c0_i32 = arith.constant 0 : i32
    %c0_i32_0 = arith.constant 0 : i32
    return %arg0, %c0_i32 : i32, i32
  }
  func.func @transform_2(%arg0: i32) -> (i32, i32) {
    %c0_i32 = arith.constant 0 : i32
    %c0_i32_0 = arith.constant 0 : i32
    return %arg0, %c0_i32 : i32, i32
  }
  func.func @transform_3(%arg0: i32) -> (i32, i32) {
    %c0_i32 = arith.constant 0 : i32
    %c0_i32_0 = arith.constant 0 : i32
    return %arg0, %c0_i32 : i32, i32
  }
  func.func @transform_4(%arg0: i32) -> (i32, i32) {
    %c0_i32 = arith.constant 0 : i32
    %c0_i32_0 = arith.constant 0 : i32
    %c0_i32_1 = arith.constant 0 : i32
    return %c0_i32, %c0_i32_0 : i32, i32
  }
  func.func @transform_5(%arg0: i32) -> (i32, i32) {
    %c0_i32 = arith.constant 0 : i32
    %c0_i32_0 = arith.constant 0 : i32
    return %arg0, %c0_i32 : i32, i32
  }
}

</mosaic_0001>

<sc_bundles>
// kernel: kernel.6.cloned.1.call-start
scs
__scs_entry_jumppad:
0x0: {  	(pc) =	sbr.rel $0x88, $3  }
0x1: {  	(tag) =	ssettag $0x0;
	lr =	simm.s32 $0x1  }
0x2: {  	[smem:$0x3F9D] =	sst lr;
	_ =	strace $0xD0000000  }
0x3: {  	_ = 	snop  }
0x4: {  	_ = 	snop  }
0x5: {  	_ = 	snop  }
0x6: {  	_ = 	snop  }
0x7: {  	_ = 	snop  }
__scs_overlays_trampoline_lowered:
0x8: {  	[smem:$0x3FAC] =	sst s0  }
0x9: {  	[smem:$0x3FAD] =	sst s1  }
0xa: {  	[smem:$0x3FAE] =	sst s2  }
0xb: {  	[smem:$0x3FAF] =	sst s3  }
0xc: {  	[smem:$0x3FB0] =	sst s4  }
0xd: {  	[smem:$0x3FB1] =	sst s5  }
0xe: {  	[smem:$0x3FB2] =	sst s6  }
0xf: {  	[smem:$0x3FB3] =	sst s7  }
0x10: {  	[smem:$0x3FB4] =	sst s8  }
0x11: {  	[smem:$0x3FB5] =	sst s9;
	s0 =	simm.s32 @!p0 $0x0  }
0x12: {  	s1 =	sld [smem:$0x3F9B];
	s0 =	simm.s32 @p0 $0x1  }
0x13: {  	[smem:$0x3FB6] =	sst s0;
	s0 =	simm.s32 @!p1 $0x0  }
0x14: {  	s2 =	sld [smem:$0x3F9A];
	s0 =	simm.s32 @p1 $0x1  }
0x15: {  	[smem:$0x3FB7] =	sst s0;
	s0 =	simm.s32 @!p2 $0x0  }
0x16: {  	s3 =	sld [smem:$0x3FDB];
	s0 =	simm.s32 @p2 $0x1  }
0x17: {  	s4 =	simm.s32 $0x1BF5;
	[smem:$0x3FB9] =	sst s0  }
0x18: {  	s0 =	sld [smem:$0x3F9C];
	_ =	swait.ge [sflag:s4], $0x0  }
0x19: {  	s7 =	sld [smem:$0x3F9D]  }
0x1a: {  	s8 =	sadd.s32 $0xFFFFE003, lr  }
0x1b: {  	s9 =	sadd.s32 $0xFFFFFEF7, lr;
	s5 =	simm.s32 $0xFFFFFFFF;
	p2 =	slt.u32 s8, $0xFFFFF086  }
0x1c: {  	p1 =	slt.u32 s9, $0xF7A;
	s5 =	simm.s32 @!p2 $0x0  }
0x1d: {  	s5 =	simm.s32 @p1 $0x1;
	p0 =	seq.s32 s7, s2  }
0x1e: {  	s7 =	smul.u32 @!p0 $0xF7A, s2;
	p2 =	seq.s32 @!p0 s5, $0x0  }
0x1f: {  	s9 =	smul.u32 $0xF7A, s1;
	s8 =	simm.s32 @!p0 $0x1BF5;
	p2 =	por !p2, p0  }
0x20: {  	[sflag:s8] =	ssyncset.s32 @!p0 $0xFFFFF086;
	s6 =	sadd.s32 @!p0 s3, s7;
	s7 =	simm.s32 @!p0 $0x108  }
0x21: {  	s3 =	sadd.s32 s3, s9;
	s6 =	sadd.s32 @!p0 $0x88, s6;
	s7 =	simm.s32 @p2 $0x1082  }
0x22: {  	[simem:s7], [sflag:s8] =	dma.local @!p0 [hbm:s6], $0xF7A  }
0x23: {  	s9 =	sor.u32 $0xD0000000, s2;
	s6 =	simm.s32 $0x108;
	_ =	swait.ge @!p0 [sflag:s8], $0x0  }
0x24: {  	s3 =	sadd.s32 $0x88, s3;
	s6 =	simm.s32 @!p1 $0x1082;
	[sflag:s4] =	ssyncset.s32 $0xFFFFF086  }
0x25: {  	[simem:s6], [sflag:s4] =	dma.local [hbm:s3], $0xF7A  }
0x26: {  	[smem:$0x3F9D] =	sst s1;
	(tag) =	ssettag s2;
	_ =	strace s9  }
0x27: {  	s1 =	sld [smem:$0x3FAD]  }
0x28: {  	s2 =	sld [smem:$0x3FAE]  }
0x29: {  	s4 =	sld [smem:$0x3FB0]  }
0x2a: {  	p0 =	seq.s32 s5, $0x0;
	s5 =	sld [smem:$0x3FB1]  }
0x2b: {  	s6 =	sld [smem:$0x3FB2]  }
0x2c: {  	s7 =	sld [smem:$0x3FB3]  }
0x2d: {  	s3 =	simm.s32 $0x108;
	s8 =	sld [smem:$0x3FB4]  }
0x2e: {  	s3 =	simm.s32 @!p0 $0x1082;
	s9 =	sld [smem:$0x3FB5]  }
0x2f: {  	lr =	sadd.s32 s0, s3;
	s0 =	sld [smem:$0x3FAC]  }
0x30: {  	s3 =	sld [smem:$0x3FAF]  }
0x31: {  	[smem:$0x3FB8] =	sst s10  }
0x32: {  	s10 =	sld [smem:$0x3FB6];
	_ =	sdelay $0x3  }
0x33: {  	p0 =	seq.s32 s10, $0x1;
	s10 =	sld [smem:$0x3FB8];
	_ =	sdelay $0x3  }
0x34: {  	[smem:$0x3FB8] =	sst s10  }
0x35: {  	s10 =	sld [smem:$0x3FB7];
	_ =	sdelay $0x3  }
0x36: {  	p1 =	seq.s32 s10, $0x1;
	s10 =	sld [smem:$0x3FB8];
	_ =	sdelay $0x3  }
0x37: {  	[smem:$0x3FB8] =	sst s10  }
0x38: {  	s10 =	sld [smem:$0x3FB9]  }
0x39: {  	_ = 	snop;
	(pc) =	sbr.ind lr, $3  }
0x3a: {  	_ = 	snop  }
0x3b: {  	_ = 	snop  }
0x3c: {  	p2 =	seq.s32 s10, $0x1;
	s10 =	sld [smem:$0x3FB8]  }
0x3d: {  	_ =	shalt  }
0x3e: {  	_ =	shalt  }
0x3f: {  	_ =	shalt  }
0x40: {  	_ =	shalt  }
0x41: {  	_ =	shalt  }
0x42: {  	_ =	shalt  }
0x43: {  	_ =	shalt  }
0x44: {  	_ =	shalt  }
0x45: {  	_ =	shalt  }
0x46: {  	_ =	shalt  }
0x47: {  	_ =	shalt  }
0x48: {  	_ =	shalt  }
0x49: {  	_ =	shalt  }
0x4a: {  	_ =	shalt  }
0x4b: {  	_ =	shalt  }
0x4c: {  	_ =	shalt  }
0x4d: {  	_ =	shalt  }
0x4e: {  	_ =	shalt  }
0x4f: {  	_ =	shalt  }
0x50: {  	_ =	shalt  }
0x51: {  	_ =	shalt  }
0x52: {  	_ =	shalt  }
0x53: {  	_ =	shalt  }
0x54: {  	_ =	shalt  }
0x55: {  	_ =	shalt  }
0x56: {  	_ =	shalt  }
0x57: {  	_ =	shalt  }
0x58: {  	_ =	shalt  }
0x59: {  	_ =	shalt  }
0x5a: {  	_ =	shalt  }
0x5b: {  	_ =	shalt  }
0x5c: {  	_ =	shalt  }
0x5d: {  	_ =	shalt  }
0x5e: {  	_ =	shalt  }
0x5f: {  	_ =	shalt  }
0x60: {  	_ =	shalt  }
0x61: {  	_ =	shalt  }
0x62: {  	_ =	shalt  }
0x63: {  	_ =	shalt  }
0x64: {  	_ =	shalt  }
0x65: {  	_ =	shalt  }
0x66: {  	_ =	shalt  }
0x67: {  	_ =	shalt  }
0x68: {  	_ =	shalt  }
0x69: {  	_ =	shalt  }
0x6a: {  	_ =	shalt  }
0x6b: {  	_ =	shalt  }
0x6c: {  	_ =	shalt  }
0x6d: {  	_ =	shalt  }
0x6e: {  	_ =	shalt  }
0x6f: {  	_ =	shalt  }
0x70: {  	_ =	shalt  }
0x71: {  	_ =	shalt  }
0x72: {  	_ =	shalt  }
0x73: {  	_ =	shalt  }
0x74: {  	_ =	shalt  }
0x75: {  	_ =	shalt  }
0x76: {  	_ =	shalt  }
0x77: {  	_ =	shalt  }
0x78: {  	_ =	shalt  }
0x79: {  	_ =	shalt  }
0x7a: {  	_ =	shalt  }
0x7b: {  	_ =	shalt  }
0x7c: {  	_ =	shalt  }
0x7d: {  	_ =	shalt  }
0x7e: {  	_ =	shalt  }
0x7f: {  	_ =	shalt  }
0x80: {  	_ =	shalt  }
0x81: {  	_ =	shalt  }
0x82: {  	_ =	shalt  }
0x83: {  	_ =	shalt  }
0x84: {  	_ =	shalt  }
0x85: {  	_ =	shalt  }
0x86: {  	_ =	shalt  }
0x87: {  	_ =	shalt  }
.Lfunc_end0:
.L_simem_size_0:
called_computation_lowered:
.L_overlay_start_0:
0x88: {  	s2 =	sld [smem:$0x3FD9]  }
0x89: {  	s3 =	sld [smem:$0x3FFE];
	_ =	sdelay $0x1  }
0x8a: {  	s1 =	srdreg.scid  }
0x8b: {  	s0 =	sand.u32 $0x1, s1  }
0x8c: {  	s16 =	sshll.u32 s0, $0xA;
	s2 =	sadd.s32 s3, s2  }
0x8d: {  	s2 =	sadd.s32 s2, s16  }
0x8e: {  	[smem:$0x3FC4] =	sst s2  }
0x8f: {  	_ = 	snop  }
0x90: {  	(tm) =	ssettm $0x1  }
0x91: {  	s17 =	sld [smem:$0x3FFB];
	_ =	sdelay $0x3  }
0x92: {  	_ =	strace s17  }
0x93: {  	s2 =	sld [smem:$0x3FFC];
	_ =	sdelay $0x3  }
0x94: {  	_ =	strace s2  }
0x95: {  	s2 =	sld [smem:$0x3FFD];
	_ =	sdelay $0x3  }
0x96: {  	_ =	strace s2  }
0x97: {  	_ =	strace $0x8FFFFFFF  }
0x98: {  	s18 =	sld [smem:$0x3FDB];
	_ =	sdelay $0x1  }
0x99: {  	s19 =	simm.s32 $_scs_section_size  }
0x9a: {  	s4 =	simm.s32 $_size__tile_overlayer_lowered;
	s5 =	simm.s32 $_tile_overlayer_lowered  }
0x9b: {  	s22 =	simm.s32 $0x1BFF;
	s21 =	sshll.u32 s5, $0x1;
	s2 =	sadd.s32 s19, s18  }
0x9c: {  	s6 =	simm.s32 $0x0;
	s20 =	sshll.u32 s4, $0x1;
	s4 =	sadd.s32 s21, s2  }
0x9d: {  	[timem:s6], [sflag:s22] =	dma.local [hbm:s4], s20  }
0x9e: {  	_ =	swait.ge [sflag:s22], s20  }
0x9f: {  	s3 =	ssub.s32 $0x0, s20;
	[sflag:s22] =	ssyncset.done $0x0  }
0xa0: {  	[sflag:s22] =	ssyncadd.s32 s3;
	_ =	sdelay $0x1  }
0xa1: {  	s23 =	simm.s32 $0x1B8B  }
0xa2: {  	_ =	swait.ge [sflag:s23], $0x1  }
0xa3: {  	[sflag:s23] =	ssyncset.done $0x0  }
0xa4: {  	s25 =	simm.s32 $0x1B8E;
	s24 =	sld [smem:$0x3FFE];
	[sflag:s23] =	ssyncadd.s32 $0xFFFFFFFF  }
0xa5: {  	s26 =	simm.s32 $execute0_lowered;
	[smem:$0x3FD2] =	sst s25  }
0xa6: {  	s4 =	sshll.u32 s26, $0x1;
	_ =	strace $0x80000046;
	[dreg:$0x1] =	wrdreg $0xFFFFFFFF  }
0xa7: {  	s28 =	simm.s32 $_size_execute0_lowered;
	s2 =	sadd.s32 s2, s4;
	[dreg:$0x0] =	wrdreg $0x0  }
0xa8: {  	s4 =	sshll.u32 s28, $0x1;
	[dreg:$0x2] =	wrdreg s2  }
0xa9: {  	[dreg:$0x3] =	wrdreg s4  }
0xaa: {  	[dreg:$0x4] =	wrdreg $0xC0  }
0xab: {  	_ =	task [dreg:s6], $0x5FFFF  }
0xac: {  	[dreg:$0x1] =	wrdreg $0xFFFFFFFF  }
0xad: {  	[dreg:$0x0] =	wrdreg $0x60  }
0xae: {  	[dreg:$0x2] =	wrdreg s24  }
0xaf: {  	[dreg:$0x3] =	wrdreg $0x9  }
0xb0: {  	_ =	task.clear_ibuf [dreg:s6], $0x4FFFF;
	_ =	strace $0x90000046  }
0xb1: {  	s29 =	simm.s32 $0x9;
	_ =	strace $0x80000048  }
0xb2: {  	_ =	swait.ge [sflag:s29], $0x1  }
0xb3: {  	[sflag:s29] =	ssyncadd.s32 $0xFFFFFFFF  }
0xb4: {  	_ =	strace $0x90000048  }
0xb5: {  	_ =	sfence  }
0xb6: {  	s30 =	sld [smem:$0x0];
	_ =	sdelay $0x2  }
0xb7: {  	s31 =	sshll.u32 s1, $0xD;
	s1 =	sshrl.u32 s1, $0x2  }
0xb8: {  	s3 =	sand.u32 $0x4000, s31;
	s1 =	sadd.s32 s1, s30  }
0xb9: {  	s0 =	sor.u32 s3, s0;
	s1 =	sshll.u32 s1, $0x11  }
0xba: {  	s0 =	sor.u32 s1, s0  }
0xbb: {  	s0 =	sadd.s32 $0x8F2B, s0  }
0xbc: {  	[sflag:s0] =	ssyncadd.remote.s32 $0x1  }
0xbd: {  	_ =	sfence.sel $0xFFFF  }
0xbe: {  	[dreg:$0x0] =	wrdreg $0xFFFFFFFF;
	(pc) =	sbr.abs _section_cstart, $3  }
0xbf: {  	[dreg:$0x1] =	wrdreg $0xFFFFFFFF  }
0xc0: {  	_ =	task.clear_ibuf [dreg:s6], $0x2FFFF;
	_ =	strace $0x9FFFFFFF  }
0xc1: {  	(tm) =	ssettm $0x7FFFFFFF  }
tec
execute0_lowered:
.L_overlay_start_1:
0x0: {  	(tag) =	ssettag $0x1  }
0x1: {  	s0 =	srdreg.scid  }
0x2: {  	s4 =	rddreg [dreg:$0x0];
	s2 =	simm.s32 $0x0;
	s3 =	sand.u32 $0x1, s0  }
0x3: {  	s8 =	simm.s32 $0x1;
	s0 =	stileid.u32;
	s1 =	sshll.u32 s3, $0x4  }
0x4: {  	s9 =	simm.s32 $0x80;
	s10 =	simm.s32 $0x400;
	s5 =	sor.u32 s0, s1  }
0x5: {  	s11 =	simm.s32 $0x0;
	[smem:$0x7FF] =	sst s2;
	s6 =	sshrl.u32 s5, $0x3  }
0x6: {  	s7 =	sshll.u32 s0, $0x7;
	s30 =	ssub.s32 $0x2, s3;
	s6 =	smul.u32 $0x14000, s6  }
0x7: {  	s3 =	sadd.s32 $0xC200, s4;
	s7 =	sand.u32 $0x380, s7;
	s5 =	smul.u32 $0x4E2, s5  }
0x8: {  	s1 =	rddreg [dreg:$0x1];
	_ =	strace $0x80000047;
	s6 =	sor.u32 s7, s6  }
0x9: {  	s31 =	sshrl.u32 s30, $0x1;
	s5 =	sadd.s32 s5, s4;
	s6 =	sshrl.u32 s6, $0x3  }
0xa: {  	s7 =	ssub.s32 s30, s31;
	s6 =	sadd.s32 s6, s4;
	s4 =	sadd.s32 $0x2400, s5  }
0xb: {  	v0 =	vimm.s32 $0x1;
	s5 =	sadd.s32 $0xC800, s6;
	s6 =	smax.u32 s7, $0x1;
	s7 =	simm.s32 $0x2780  }
.LBB2_1:
0xc: {  	[tilespmem:s7], [sflag:$0x1] =	stream.linear.gather [hbm4b:s3+s2], $0x2800, $0x38;
	[tilespmem:$0x4F80] =	vst v63  }
0xd: {  	_ =	swait.ge [sflag:s8], $0x2800  }
0xe: {  	[sflag:s8] =	ssyncset.done $0x0  }
0xf: {  	[sflag:s8] =	ssyncadd.s32 $0xFFFFD800  }
0x10: {  	[tilespmem:s2], [sflag:$0x1] =	stream.linear.gather [hbm4b:s4+s2], $0x2710, $0x38;
	[tilespmem:$0x4F80] =	vst v63  }
0x11: {  	_ =	swait.ge [sflag:s8], $0x2710  }
0x12: {  	[sflag:s8] =	ssyncset.done $0x0  }
0x13: {  	s13 =	simm.s32 $0x0;
	s12 =	simm.s32 $0x40;
	[sflag:s8] =	ssyncadd.s32 $0xFFFFD8F0  }
.LBB2_2:
0x14: {  	p0 =	sne.s32 s12, $0x9C00;
	v1 =	vld [tilespmem:s13+$0x0];
	_ =	sdelay $0x3  }
.Ltmp0:
0x15: {  	(pc) =	sbr.rel @p0 .LBB2_2-.Ltmp0, $2  }
0x16: {  	_ =	sdelay $0x2  }
0x17: {  	s13 =	sshra.s32 s12, $0x2;
	s12 =	sadd.s32 $0x40, s12;
	[tilespmem:v1+s7+$0x0] =	vst.idx.add.s32.msk $0xffff, v0  }
0x18: {  	v1 =	vld [tilespmem:s13+$0x0];
	_ =	sdelay $0x5  }
0x19: {  	s11 =	sadd.s32 $0x1, s11  }
0x1a: {  	p0 =	sne.s32 s11, s6  }
.Ltmp1:
0x1b: {  	[tilespmem:v1+s7+$0x0] =	vst.idx.add.s32.msk $0xffff, v0;
	(pc) =	sbr.rel @p0 .LBB2_1-.Ltmp1, $4  }
0x1c: {  	[hbm4b:s5+s9] =	stream.strided.scatter [tilespmem:s7], [sflag:$0x1], $0x2800, s10, s9, $0x38;
	[tilespmem:$0x4F80] =	vst v63  }
0x1d: {  	_ =	swait.ge [sflag:s8], $0x2800  }
0x1e: {  	[sflag:s8] =	ssyncset.done $0x0  }
0x1f: {  	[sflag:s8] =	ssyncadd.s32 $0xFFFFD800  }
0x20: {  	_ =	sfence.sel $0x180000  }
0x21: {  	[bflag:$0x0] =	sbarrier.arrive $0xFFFF  }
0x22: {  	p0 =	sne.s32 s0, $0x0;
	_ =	strace $0x90000047  }
0x23: {  	s0 =	sadd.s32 @!p0 $0x100000, s1;
	[bflag:$0x2] =	sbarrier.arrive $0xFFFF  }
0x24: {  	[sflag:s0] =	ssyncadd.tile.s32 @!p0 $0x1;
	_ =	shalt  }
.Lfunc_end2:
_tile_overlayer_lowered:
.L_overlay_start_2:
0x25: {  	(tag) =	ssettag $0x2  }
0x26: {  	s0 =	rddreg [dreg:$0x0];
	s2 =	stileid.u32  }
0x27: {  	s1 =	rddreg [dreg:$0x1];
	p0 =	sne.s32 s2, $0x0  }
0x28: {  	s3 =	rddreg [dreg:$0x2];
	[bflag:$0x3] =	sbarrier.arrive $0xFFFF;
	s2 =	simm.s32 @!p0 $0x1C01  }
0x29: {  	[timem:s3], [sflag:s2] =	dma.local @!p0 [hbm:s0], s1  }
0x2a: {  	s0 =	simm.s32 @!p0 $0x1  }
0x2b: {  	_ =	swait.ge @!p0 [sflag:s0], s1  }
0x2c: {  	s1 =	ssub.s32 @!p0 $0x0, s1;
	[sflag:s0] =	ssyncset.done @!p0 $0x0  }
0x2d: {  	[sflag:s0] =	ssyncadd.s32 @!p0 s1  }
0x2e: {  	[bflag:$0x3] =	sbarrier.arrive $0xFFFF  }
0x2f: {  	_ =	shalt  }

// kernel: kernel.9.cloned.1.call-start
scs
__scs_entry_jumppad:
0x0: {  	(pc) =	sbr.rel $0x88, $3  }
0x1: {  	(tag) =	ssettag $0x0;
	lr =	simm.s32 $0x1  }
0x2: {  	[smem:$0x3F9D] =	sst lr;
	_ =	strace $0xD0000000  }
0x3: {  	_ = 	snop  }
0x4: {  	_ = 	snop  }
0x5: {  	_ = 	snop  }
0x6: {  	_ = 	snop  }
0x7: {  	_ = 	snop  }
__scs_overlays_trampoline_lowered:
0x8: {  	[smem:$0x3FAC] =	sst s0  }
0x9: {  	[smem:$0x3FAD] =	sst s1  }
0xa: {  	[smem:$0x3FAE] =	sst s2  }
0xb: {  	[smem:$0x3FAF] =	sst s3  }
0xc: {  	[smem:$0x3FB0] =	sst s4  }
0xd: {  	[smem:$0x3FB1] =	sst s5  }
0xe: {  	[smem:$0x3FB2] =	sst s6  }
0xf: {  	[smem:$0x3FB3] =	sst s7  }
0x10: {  	[smem:$0x3FB4] =	sst s8  }
0x11: {  	[smem:$0x3FB5] =	sst s9;
	s0 =	simm.s32 @!p0 $0x0  }
0x12: {  	s1 =	sld [smem:$0x3F9B];
	s0 =	simm.s32 @p0 $0x1  }
0x13: {  	[smem:$0x3FB6] =	sst s0;
	s0 =	simm.s32 @!p1 $0x0  }
0x14: {  	s2 =	sld [smem:$0x3F9A];
	s0 =	simm.s32 @p1 $0x1  }
0x15: {  	[smem:$0x3FB7] =	sst s0;
	s0 =	simm.s32 @!p2 $0x0  }
0x16: {  	s3 =	sld [smem:$0x3FDB];
	s0 =	simm.s32 @p2 $0x1  }
0x17: {  	s4 =	simm.s32 $0x1BF5;
	[smem:$0x3FB9] =	sst s0  }
0x18: {  	s0 =	sld [smem:$0x3F9C];
	_ =	swait.ge [sflag:s4], $0x0  }
0x19: {  	s7 =	sld [smem:$0x3F9D]  }
0x1a: {  	s8 =	sadd.s32 $0xFFFFE003, lr  }
0x1b: {  	s9 =	sadd.s32 $0xFFFFFEF7, lr;
	s5 =	simm.s32 $0xFFFFFFFF;
	p2 =	slt.u32 s8, $0xFFFFF086  }
0x1c: {  	p1 =	slt.u32 s9, $0xF7A;
	s5 =	simm.s32 @!p2 $0x0  }
0x1d: {  	s5 =	simm.s32 @p1 $0x1;
	p0 =	seq.s32 s7, s2  }
0x1e: {  	s7 =	smul.u32 @!p0 $0xF7A, s2;
	p2 =	seq.s32 @!p0 s5, $0x0  }
0x1f: {  	s9 =	smul.u32 $0xF7A, s1;
	s8 =	simm.s32 @!p0 $0x1BF5;
	p2 =	por !p2, p0  }
0x20: {  	[sflag:s8] =	ssyncset.s32 @!p0 $0xFFFFF086;
	s6 =	sadd.s32 @!p0 s3, s7;
	s7 =	simm.s32 @!p0 $0x108  }
0x21: {  	s3 =	sadd.s32 s3, s9;
	s6 =	sadd.s32 @!p0 $0x88, s6;
	s7 =	simm.s32 @p2 $0x1082  }
0x22: {  	[simem:s7], [sflag:s8] =	dma.local @!p0 [hbm:s6], $0xF7A  }
0x23: {  	s9 =	sor.u32 $0xD0000000, s2;
	s6 =	simm.s32 $0x108;
	_ =	swait.ge @!p0 [sflag:s8], $0x0  }
0x24: {  	s3 =	sadd.s32 $0x88, s3;
	s6 =	simm.s32 @!p1 $0x1082;
	[sflag:s4] =	ssyncset.s32 $0xFFFFF086  }
0x25: {  	[simem:s6], [sflag:s4] =	dma.local [hbm:s3], $0xF7A  }
0x26: {  	[smem:$0x3F9D] =	sst s1;
	(tag) =	ssettag s2;
	_ =	strace s9  }
0x27: {  	s1 =	sld [smem:$0x3FAD]  }
0x28: {  	s2 =	sld [smem:$0x3FAE]  }
0x29: {  	s4 =	sld [smem:$0x3FB0]  }
0x2a: {  	p0 =	seq.s32 s5, $0x0;
	s5 =	sld [smem:$0x3FB1]  }
0x2b: {  	s6 =	sld [smem:$0x3FB2]  }
0x2c: {  	s7 =	sld [smem:$0x3FB3]  }
0x2d: {  	s3 =	simm.s32 $0x108;
	s8 =	sld [smem:$0x3FB4]  }
0x2e: {  	s3 =	simm.s32 @!p0 $0x1082;
	s9 =	sld [smem:$0x3FB5]  }
0x2f: {  	lr =	sadd.s32 s0, s3;
	s0 =	sld [smem:$0x3FAC]  }
0x30: {  	s3 =	sld [smem:$0x3FAF]  }
0x31: {  	[smem:$0x3FB8] =	sst s10  }
0x32: {  	s10 =	sld [smem:$0x3FB6];
	_ =	sdelay $0x3  }
0x33: {  	p0 =	seq.s32 s10, $0x1;
	s10 =	sld [smem:$0x3FB8];
	_ =	sdelay $0x3  }
0x34: {  	[smem:$0x3FB8] =	sst s10  }
0x35: {  	s10 =	sld [smem:$0x3FB7];
	_ =	sdelay $0x3  }
0x36: {  	p1 =	seq.s32 s10, $0x1;
	s10 =	sld [smem:$0x3FB8];
	_ =	sdelay $0x3  }
0x37: {  	[smem:$0x3FB8] =	sst s10  }
0x38: {  	s10 =	sld [smem:$0x3FB9]  }
0x39: {  	_ = 	snop;
	(pc) =	sbr.ind lr, $3  }
0x3a: {  	_ = 	snop  }
0x3b: {  	_ = 	snop  }
0x3c: {  	p2 =	seq.s32 s10, $0x1;
	s10 =	sld [smem:$0x3FB8]  }
0x3d: {  	_ =	shalt  }
0x3e: {  	_ =	shalt  }
0x3f: {  	_ =	shalt  }
0x40: {  	_ =	shalt  }
0x41: {  	_ =	shalt  }
0x42: {  	_ =	shalt  }
0x43: {  	_ =	shalt  }
0x44: {  	_ =	shalt  }
0x45: {  	_ =	shalt  }
0x46: {  	_ =	shalt  }
0x47: {  	_ =	shalt  }
0x48: {  	_ =	shalt  }
0x49: {  	_ =	shalt  }
0x4a: {  	_ =	shalt  }
0x4b: {  	_ =	shalt  }
0x4c: {  	_ =	shalt  }
0x4d: {  	_ =	shalt  }
0x4e: {  	_ =	shalt  }
0x4f: {  	_ =	shalt  }
0x50: {  	_ =	shalt  }
0x51: {  	_ =	shalt  }
0x52: {  	_ =	shalt  }
0x53: {  	_ =	shalt  }
0x54: {  	_ =	shalt  }
0x55: {  	_ =	shalt  }
0x56: {  	_ =	shalt  }
0x57: {  	_ =	shalt  }
0x58: {  	_ =	shalt  }
0x59: {  	_ =	shalt  }
0x5a: {  	_ =	shalt  }
0x5b: {  	_ =	shalt  }
0x5c: {  	_ =	shalt  }
0x5d: {  	_ =	shalt  }
0x5e: {  	_ =	shalt  }
0x5f: {  	_ =	shalt  }
0x60: {  	_ =	shalt  }
0x61: {  	_ =	shalt  }
0x62: {  	_ =	shalt  }
0x63: {  	_ =	shalt  }
0x64: {  	_ =	shalt  }
0x65: {  	_ =	shalt  }
0x66: {  	_ =	shalt  }
0x67: {  	_ =	shalt  }
0x68: {  	_ =	shalt  }
0x69: {  	_ =	shalt  }
0x6a: {  	_ =	shalt  }
0x6b: {  	_ =	shalt  }
0x6c: {  	_ =	shalt  }
0x6d: {  	_ =	shalt  }
0x6e: {  	_ =	shalt  }
0x6f: {  	_ =	shalt  }
0x70: {  	_ =	shalt  }
0x71: {  	_ =	shalt  }
0x72: {  	_ =	shalt  }
0x73: {  	_ =	shalt  }
0x74: {  	_ =	shalt  }
0x75: {  	_ =	shalt  }
0x76: {  	_ =	shalt  }
0x77: {  	_ =	shalt  }
0x78: {  	_ =	shalt  }
0x79: {  	_ =	shalt  }
0x7a: {  	_ =	shalt  }
0x7b: {  	_ =	shalt  }
0x7c: {  	_ =	shalt  }
0x7d: {  	_ =	shalt  }
0x7e: {  	_ =	shalt  }
0x7f: {  	_ =	shalt  }
0x80: {  	_ =	shalt  }
0x81: {  	_ =	shalt  }
0x82: {  	_ =	shalt  }
0x83: {  	_ =	shalt  }
0x84: {  	_ =	shalt  }
0x85: {  	_ =	shalt  }
0x86: {  	_ =	shalt  }
0x87: {  	_ =	shalt  }
.Lfunc_end0:
.L_simem_size_0:
called_computation.1_lowered:
.L_overlay_start_0:
0x88: {  	s2 =	sld [smem:$0x3FD9]  }
0x89: {  	s3 =	sld [smem:$0x3FFE];
	_ =	sdelay $0x1  }
0x8a: {  	s1 =	srdreg.scid  }
0x8b: {  	s0 =	sand.u32 $0x1, s1  }
0x8c: {  	s17 =	sshll.u32 s0, $0xA;
	s2 =	sadd.s32 s3, s2  }
0x8d: {  	s2 =	sadd.s32 s2, s17  }
0x8e: {  	[smem:$0x3FC4] =	sst s2  }
0x8f: {  	_ = 	snop  }
0x90: {  	s2 =	sld [smem:$0x3FD0];
	(tm) =	ssettm $0x1  }
0x91: {  	s18 =	sld [smem:$0x3FFB];
	_ =	sdelay $0x3  }
0x92: {  	_ =	strace s18  }
0x93: {  	s3 =	sld [smem:$0x3FFC];
	_ =	sdelay $0x3  }
0x94: {  	_ =	strace s3  }
0x95: {  	s3 =	sld [smem:$0x3FFD];
	_ =	sdelay $0x3  }
0x96: {  	_ =	strace s3  }
0x97: {  	_ =	strace $0x8FFFFFFF  }
0x98: {  	s19 =	sld [smem:$0x3FDB];
	_ =	sdelay $0x1  }
0x99: {  	s4 =	simm.s32 $_scs_section_size  }
0x9a: {  	s5 =	simm.s32 $_size__tile_overlayer_lowered;
	s6 =	simm.s32 $_tile_overlayer_lowered  }
0x9b: {  	s22 =	simm.s32 $0x1BFF;
	s21 =	sshll.u32 s6, $0x1;
	s3 =	sadd.s32 s4, s19  }
0x9c: {  	s7 =	simm.s32 $0x0;
	s20 =	sshll.u32 s5, $0x1;
	s5 =	sadd.s32 s21, s3  }
0x9d: {  	[timem:s7], [sflag:s22] =	dma.local [hbm:s5], s20  }
0x9e: {  	_ =	swait.ge [sflag:s22], s20  }
0x9f: {  	s4 =	ssub.s32 $0x0, s20;
	[sflag:s22] =	ssyncset.done $0x0  }
0xa0: {  	[sflag:s22] =	ssyncadd.s32 s4;
	_ =	sdelay $0x1  }
0xa1: {  	s23 =	simm.s32 $0x1B8B  }
0xa2: {  	_ =	swait.ge [sflag:s23], $0x1  }
0xa3: {  	[sflag:s23] =	ssyncset.done $0x0  }
0xa4: {  	s25 =	simm.s32 $0x1B8E;
	s24 =	sld [smem:$0x3FFE];
	[sflag:s23] =	ssyncadd.s32 $0xFFFFFFFF  }
0xa5: {  	s26 =	simm.s32 $execute0_lowered;
	[smem:$0x3FD2] =	sst s25  }
0xa6: {  	s5 =	sshll.u32 s26, $0x1;
	_ =	strace $0x80000049;
	[dreg:$0x1] =	wrdreg $0xFFFFFFFF  }
0xa7: {  	s28 =	simm.s32 $_size_execute0_lowered;
	s3 =	sadd.s32 s3, s5;
	[dreg:$0x0] =	wrdreg $0x0  }
0xa8: {  	s5 =	sshll.u32 s28, $0x1;
	[dreg:$0x2] =	wrdreg s3  }
0xa9: {  	[dreg:$0x3] =	wrdreg s5  }
0xaa: {  	[dreg:$0x4] =	wrdreg $0xC0  }
0xab: {  	_ =	task [dreg:s7], $0x5FFFF  }
0xac: {  	[dreg:$0x1] =	wrdreg $0xFFFFFFFF  }
0xad: {  	[dreg:$0x0] =	wrdreg $0x60  }
0xae: {  	[dreg:$0x2] =	wrdreg s24  }
0xaf: {  	[dreg:$0x3] =	wrdreg s2  }
0xb0: {  	[dreg:$0x4] =	wrdreg $0x6C000  }
0xb1: {  	[dreg:$0x5] =	wrdreg $0x9  }
0xb2: {  	_ =	task.clear_ibuf [dreg:s7], $0x6FFFF;
	_ =	strace $0x90000049  }
0xb3: {  	s29 =	simm.s32 $0x9;
	_ =	strace $0x8000004B  }
0xb4: {  	_ =	swait.ge [sflag:s29], $0x1  }
0xb5: {  	[sflag:s29] =	ssyncadd.s32 $0xFFFFFFFF  }
0xb6: {  	_ =	strace $0x9000004B  }
0xb7: {  	_ =	sfence  }
0xb8: {  	s30 =	sld [smem:$0x0];
	_ =	sdelay $0x2  }
0xb9: {  	s31 =	sshll.u32 s1, $0xD;
	s1 =	sshrl.u32 s1, $0x2  }
0xba: {  	s3 =	sand.u32 $0x4000, s31;
	s1 =	sadd.s32 s1, s30  }
0xbb: {  	s0 =	sor.u32 s3, s0;
	s1 =	sshll.u32 s1, $0x11  }
0xbc: {  	s0 =	sor.u32 s1, s0  }
0xbd: {  	s0 =	sadd.s32 $0x8F2B, s0  }
0xbe: {  	[sflag:s0] =	ssyncadd.remote.s32 $0x1  }
0xbf: {  	_ =	sfence.sel $0xFFFF  }
0xc0: {  	[dreg:$0x0] =	wrdreg $0xFFFFFFFF;
	(pc) =	sbr.abs _section_cstart, $3  }
0xc1: {  	[dreg:$0x1] =	wrdreg $0xFFFFFFFF  }
0xc2: {  	_ =	task.clear_ibuf [dreg:s7], $0x2FFFF;
	_ =	strace $0x9FFFFFFF  }
0xc3: {  	(tm) =	ssettm $0x7FFFFFFF  }
tec
execute0_lowered:
.L_overlay_start_1:
0x0: {  	(tag) =	ssettag $0x1  }
0x1: {  	s0 =	rddreg [dreg:$0x0]  }
0x2: {  	s1 =	rddreg [dreg:$0x1]  }
0x3: {  	s2 =	rddreg [dreg:$0x2];
	s3 =	simm.s32 $0x0;
	s4 =	srdreg.scid  }
0x4: {  	s12 =	stileid.u32;
	s28 =	simm.s32 $0x5;
	s29 =	simm.s32 $0x80  }
0x5: {  	s30 =	simm.s32 $0x3;
	s31 =	simm.s32 $0x6;
	[smem:$0x7FF] =	sst s3  }
0x6: {  	s4 =	sand.u32 $0x1, s4;
	s8 =	smul.u32 $0x50000, s12;
	s10 =	sadd.s32 $0x2A400, s0  }
0x7: {  	s16 =	sshll.u32 s12, $0x6;
	s21 =	smul.u32 $0x6400, s12;
	_ =	strace $0x8000004A  }
0x8: {  	s5 =	sshll.u32 s4, $0x4;
	s6 =	ssub.s32 $0x2, s4;
	[dreg:$0x5] =	wrdreg s10  }
0x9: {  	s19 =	smul.u32 $0x64000, s4;
	p0 =	seq.s32 s4, $0x1;
	s4 =	simm.s32 $0x54C00  }
0xa: {  	s7 =	sor.u32 s12, s5;
	s5 =	sadd.s32 $0x2400, s0;
	s9 =	sshrl.u32 s6, $0x1  }
0xb: {  	s8 =	sshrl.u32 s8, $0x2;
	s12 =	smul.u32 $0x2800, s12;
	s4 =	simm.s32 @!p0 $0x2CC00  }
0xc: {  	s7 =	smul.u32 $0x6400, s7;
	s6 =	ssub.s32 s6, s9;
	s13 =	sadd.s32 s8, s2  }
0xd: {  	s10 =	sadd.s32 s21, s19;
	s0 =	sadd.s32 s4, s0;
	s19 =	simm.s32 $0x100  }
0xe: {  	s21 =	simm.s32 $0x300;
	s9 =	simm.s32 $0x380;
	s6 =	smax.u32 s6, $0x1  }
0xf: {  	s22 =	sadd.s32 $0x700, s10;
	s0 =	sadd.s32 s0, s12;
	s24 =	sadd.s32 $0x600, s10  }
0x10: {  	s25 =	sadd.s32 $0x500, s10;
	s17 =	sshrl.u32 s7, $0x3;
	[dreg:$0xa] =	wrdreg s6  }
0x11: {  	s7 =	sor.u32 $0x1C07, s16;
	[dreg:$0xb] =	wrdreg s0;
	s23 =	sshrl.u32 s22, $0x3  }
0x12: {  	s4 =	sshrl.u32 s24, $0x3;
	s26 =	sshrl.u32 s25, $0x3;
	s16 =	sadd.s32 $0x400, s10  }
0x13: {  	s22 =	simm.s32 $0x1;
	s24 =	simm.s32 $0x400;
	s25 =	simm.s32 $0x2  }
0x14: {  	s6 =	simm.s32 $0x280;
	s10 =	simm.s32 $0x0;
	s18 =	sadd.s32 s1, s17  }
0x15: {  	s0 =	sadd.s32 s23, s1;
	s14 =	sadd.s32 s4, s1;
	s15 =	sadd.s32 s26, s1  }
0x16: {  	s17 =	sshrl.u32 s13, $0x3;
	s23 =	simm.s32 $0x64;
	[dreg:$0x6] =	wrdreg s18  }
0x17: {  	s26 =	simm.s32 $0x3800;
	s11 =	sadd.s32 $0x20, s18;
	[dreg:$0x4] =	wrdreg s0  }
0x18: {  	s4 =	simm.s32 $0x4;
	s20 =	sadd.s32 $0x40, s18;
	[dreg:$0x7] =	wrdreg s11  }
0x19: {  	s8 =	sadd.s32 $0x60, s18;
	s18 =	simm.s32 $0x7;
	[dreg:$0x8] =	wrdreg s20  }
0x1a: {  	s0 =	simm.s32 $0x180;
	[dreg:$0x9] =	wrdreg s8;
	s20 =	simm.s32 $0x200  }
.LBB2_1:
0x1b: {  	s8 =	rddreg [dreg:$0x5]  }
0x1c: {  	[spmem:s17], [sflag:s7] =	dma.local [hbm:s8], $0x2800  }
0x1d: {  	_ =	swait.ge [sflag:s18], $0x2800  }
0x1e: {  	[sflag:s18] =	ssyncset.done $0x0  }
0x1f: {  	[sflag:s18] =	ssyncadd.s32 $0xFFFFD800  }
0x20: {  	[bflag:$0x0] =	sbarrier.arrive $0xFFFF  }
0x21: {  	s11 =	rddreg [dreg:$0x6]  }
0x22: {  	[tilespmem:s3], [sflag:$0x1] =	stream.linear.gather [hbm4b:s11+s3], $0x100, $0x38;
	[tilespmem:$0x1AC00] =	vst v63  }
0x23: {  	s12 =	rddreg [dreg:$0x7]  }
0x24: {  	[tilespmem:s19], [sflag:$0x2] =	stream.linear.gather [hbm4b:s12+s3], $0x100, $0x38;
	[tilespmem:$0x1AC00] =	vst v63  }
0x25: {  	s13 =	rddreg [dreg:$0x8]  }
0x26: {  	[tilespmem:s20], [sflag:$0x3] =	stream.linear.gather [hbm4b:s13+s3], $0x100, $0x38;
	[tilespmem:$0x1AC00] =	vst v63  }
0x27: {  	s11 =	rddreg [dreg:$0x9]  }
0x28: {  	[tilespmem:s21], [sflag:$0x4] =	stream.linear.gather [hbm4b:s11+s3], $0x100, $0x38;
	[tilespmem:$0x1AC00] =	vst v63  }
0x29: {  	_ =	swait.ge [sflag:s22], $0x100  }
0x2a: {  	[sflag:s22] =	ssyncset.done $0x0  }
0x2b: {  	[sflag:s22] =	ssyncadd.s32 $0xFFFFFF00  }
0x2c: {  	[tilespmem:s24], [sflag:$0x5] =	stream.indirect.gather [hbm4b:s5+s23], $0x80, s3, s23, $0xb8;
	[tilespmem:$0x1AC00] =	vst v63  }
0x2d: {  	_ =	swait.ge [sflag:s25], $0x100  }
0x2e: {  	[sflag:s25] =	ssyncset.done $0x0  }
0x2f: {  	[sflag:s25] =	ssyncadd.s32 $0xFFFFFF00  }
0x30: {  	[tilespmem:s26], [sflag:$0x6] =	stream.indirect.gather [hbm4b:s5+s23], $0x80, s19, s23, $0xb8;
	[tilespmem:$0x1AC00] =	vst v63  }
0x31: {  	_ =	swait.ge [sflag:s28], $0x3200  }
0x32: {  	[sflag:s28] =	ssyncset.done $0x0  }
0x33: {  	[sflag:s28] =	ssyncadd.s32 $0xFFFFCE00  }
0x34: {  	[spmem:s2] =	stream.indirect.scatter.add.f32 [tilespmem:s24], [sflag:$0x7], $0x80, s29, s23, $0xb8;
	[tilespmem:$0x1AC00] =	vst v63  }
0x35: {  	_ =	swait.ge [sflag:s18], $0x3200  }
0x36: {  	s11 =	sshrl.u32 s16, $0x3;
	[sflag:s18] =	ssyncset.done $0x0  }
0x37: {  	s11 =	sadd.s32 s1, s11;
	[sflag:s18] =	ssyncadd.s32 $0xFFFFCE00  }
0x38: {  	[tilespmem:s3], [sflag:$0x1] =	stream.linear.gather [hbm4b:s11+s3], $0x100, $0x38;
	[tilespmem:$0x1AC00] =	vst v63  }
0x39: {  	_ =	swait.ge [sflag:s30], $0x100  }
0x3a: {  	[sflag:s30] =	ssyncset.done $0x0  }
0x3b: {  	[sflag:s30] =	ssyncadd.s32 $0xFFFFFF00  }
0x3c: {  	[tilespmem:s24], [sflag:$0x5] =	stream.indirect.gather [hbm4b:s5+s23], $0x80, s20, s23, $0xb8;
	[tilespmem:$0x1AC00] =	vst v63  }
0x3d: {  	_ =	swait.ge [sflag:s31], $0x3200  }
0x3e: {  	[sflag:s31] =	ssyncset.done $0x0  }
0x3f: {  	[sflag:s31] =	ssyncadd.s32 $0xFFFFCE00  }
0x40: {  	[spmem:s2] =	stream.indirect.scatter.add.f32 [tilespmem:s26], [sflag:$0x7], $0x80, s0, s23, $0xb8;
	[tilespmem:$0x1AC00] =	vst v63  }
0x41: {  	_ =	swait.ge [sflag:s18], $0x3200  }
0x42: {  	[sflag:s18] =	ssyncset.done $0x0  }
0x43: {  	s12 =	sadd.s32 $0x0, s15;
	[sflag:s18] =	ssyncadd.s32 $0xFFFFCE00  }
0x44: {  	[tilespmem:s19], [sflag:$0x2] =	stream.linear.gather [hbm4b:s12+s3], $0x100, $0x38;
	[tilespmem:$0x1AC00] =	vst v63  }
0x45: {  	_ =	swait.ge [sflag:s4], $0x100  }
0x46: {  	[sflag:s4] =	ssyncset.done $0x0  }
0x47: {  	[sflag:s4] =	ssyncadd.s32 $0xFFFFFF00  }
0x48: {  	[tilespmem:s26], [sflag:$0x6] =	stream.indirect.gather [hbm4b:s5+s23], $0x80, s21, s23, $0xb8;
	[tilespmem:$0x1AC00] =	vst v63  }
0x49: {  	_ =	swait.ge [sflag:s28], $0x3200  }
0x4a: {  	[sflag:s28] =	ssyncset.done $0x0  }
0x4b: {  	[sflag:s28] =	ssyncadd.s32 $0xFFFFCE00  }
0x4c: {  	[spmem:s2] =	stream.indirect.scatter.add.f32 [tilespmem:s24], [sflag:$0x7], $0x80, s6, s23, $0xb8;
	[tilespmem:$0x1AC00] =	vst v63  }
0x4d: {  	_ =	swait.ge [sflag:s18], $0x3200  }
0x4e: {  	[sflag:s18] =	ssyncset.done $0x0  }
0x4f: {  	s13 =	sadd.s32 $0x0, s14;
	[sflag:s18] =	ssyncadd.s32 $0xFFFFCE00  }
0x50: {  	[tilespmem:s20], [sflag:$0x3] =	stream.linear.gather [hbm4b:s13+s3], $0x100, $0x38;
	[tilespmem:$0x1AC00] =	vst v63  }
0x51: {  	_ =	swait.ge [sflag:s22], $0x100  }
0x52: {  	[sflag:s22] =	ssyncset.done $0x0  }
0x53: {  	[sflag:s22] =	ssyncadd.s32 $0xFFFFFF00  }
0x54: {  	[tilespmem:s24], [sflag:$0x5] =	stream.indirect.gather [hbm4b:s5+s23], $0x80, s3, s23, $0xb8;
	[tilespmem:$0x1AC00] =	vst v63  }
0x55: {  	_ =	swait.ge [sflag:s31], $0x3200  }
0x56: {  	[sflag:s31] =	ssyncset.done $0x0  }
0x57: {  	[sflag:s31] =	ssyncadd.s32 $0xFFFFCE00  }
0x58: {  	[spmem:s2] =	stream.indirect.scatter.add.f32 [tilespmem:s26], [sflag:$0x7], $0x80, s9, s23, $0xb8;
	[tilespmem:$0x1AC00] =	vst v63  }
0x59: {  	_ =	swait.ge [sflag:s18], $0x3200  }
0x5a: {  	s11 =	simm.s32 $0x80;
	s12 =	rddreg [dreg:$0x4];
	[sflag:s18] =	ssyncset.done $0x0  }
0x5b: {  	[sflag:s18] =	ssyncadd.s32 $0xFFFFCE00;
	s13 =	sadd.s32 $0x0, s12;
	s12 =	sadd.s32 $0x400, s16  }
.LBB2_2:
0x5c: {  	[tilespmem:s21], [sflag:$0x4] =	stream.linear.gather [hbm4b:s13+s3], $0x100, $0x38;
	[tilespmem:$0x1AC00] =	vst v63  }
0x5d: {  	_ =	swait.ge [sflag:s25], $0x100  }
0x5e: {  	[sflag:s25] =	ssyncset.done $0x0  }
0x5f: {  	[sflag:s25] =	ssyncadd.s32 $0xFFFFFF00  }
0x60: {  	[tilespmem:s26], [sflag:$0x6] =	stream.indirect.gather [hbm4b:s5+s23], $0x80, s19, s23, $0xb8;
	[tilespmem:$0x1AC00] =	vst v63  }
0x61: {  	_ =	swait.ge [sflag:s28], $0x3200  }
0x62: {  	[sflag:s28] =	ssyncset.done $0x0  }
0x63: {  	[sflag:s28] =	ssyncadd.s32 $0xFFFFCE00  }
0x64: {  	[spmem:s2] =	stream.indirect.scatter.add.f32 [tilespmem:s24], [sflag:$0x7], $0x80, s29, s23, $0xb8;
	[tilespmem:$0x1AC00] =	vst v63  }
0x65: {  	_ =	swait.ge [sflag:s18], $0x3200  }
0x66: {  	s8 =	sshrl.u32 s12, $0x3;
	[sflag:s18] =	ssyncset.done $0x0  }
0x67: {  	s8 =	sadd.s32 s1, s8;
	[sflag:s18] =	ssyncadd.s32 $0xFFFFCE00  }
0x68: {  	[tilespmem:s3], [sflag:$0x1] =	stream.linear.gather [hbm4b:s8+s3], $0x100, $0x38;
	[tilespmem:$0x1AC00] =	vst v63  }
0x69: {  	_ =	swait.ge [sflag:s30], $0x100  }
0x6a: {  	[sflag:s30] =	ssyncset.done $0x0  }
0x6b: {  	[sflag:s30] =	ssyncadd.s32 $0xFFFFFF00  }
0x6c: {  	[tilespmem:s24], [sflag:$0x5] =	stream.indirect.gather [hbm4b:s5+s23], $0x80, s20, s23, $0xb8;
	[tilespmem:$0x1AC00] =	vst v63  }
0x6d: {  	_ =	swait.ge [sflag:s31], $0x3200  }
0x6e: {  	[sflag:s31] =	ssyncset.done $0x0  }
0x6f: {  	[sflag:s31] =	ssyncadd.s32 $0xFFFFCE00  }
0x70: {  	[spmem:s2] =	stream.indirect.scatter.add.f32 [tilespmem:s26], [sflag:$0x7], $0x80, s0, s23, $0xb8;
	[tilespmem:$0x1AC00] =	vst v63  }
0x71: {  	_ =	swait.ge [sflag:s18], $0x3200  }
0x72: {  	s13 =	smov.u32 s11;
	[sflag:s18] =	ssyncset.done $0x0  }
0x73: {  	s8 =	sadd.s32 s13, s15;
	[sflag:s18] =	ssyncadd.s32 $0xFFFFCE00  }
0x74: {  	[tilespmem:s19], [sflag:$0x2] =	stream.linear.gather [hbm4b:s8+s3], $0x100, $0x38;
	[tilespmem:$0x1AC00] =	vst v63  }
0x75: {  	_ =	swait.ge [sflag:s4], $0x100  }
0x76: {  	[sflag:s4] =	ssyncset.done $0x0  }
0x77: {  	[sflag:s4] =	ssyncadd.s32 $0xFFFFFF00  }
0x78: {  	[tilespmem:s26], [sflag:$0x6] =	stream.indirect.gather [hbm4b:s5+s23], $0x80, s21, s23, $0xb8;
	[tilespmem:$0x1AC00] =	vst v63  }
0x79: {  	_ =	swait.ge [sflag:s28], $0x3200  }
0x7a: {  	[sflag:s28] =	ssyncset.done $0x0  }
0x7b: {  	[sflag:s28] =	ssyncadd.s32 $0xFFFFCE00  }
0x7c: {  	[spmem:s2] =	stream.indirect.scatter.add.f32 [tilespmem:s24], [sflag:$0x7], $0x80, s6, s23, $0xb8;
	[tilespmem:$0x1AC00] =	vst v63  }
0x7d: {  	_ =	swait.ge [sflag:s18], $0x3200  }
0x7e: {  	[sflag:s18] =	ssyncset.done $0x0  }
0x7f: {  	s8 =	sadd.s32 s13, s14;
	[sflag:s18] =	ssyncadd.s32 $0xFFFFCE00  }
0x80: {  	[tilespmem:s20], [sflag:$0x3] =	stream.linear.gather [hbm4b:s8+s3], $0x100, $0x38;
	[tilespmem:$0x1AC00] =	vst v63  }
0x81: {  	_ =	swait.ge [sflag:s22], $0x100  }
0x82: {  	[sflag:s22] =	ssyncset.done $0x0  }
0x83: {  	[sflag:s22] =	ssyncadd.s32 $0xFFFFFF00  }
0x84: {  	[tilespmem:s24], [sflag:$0x5] =	stream.indirect.gather [hbm4b:s5+s23], $0x80, s3, s23, $0xb8;
	[tilespmem:$0x1AC00] =	vst v63  }
0x85: {  	_ =	swait.ge [sflag:s31], $0x3200  }
0x86: {  	p0 =	sne.s32 s11, $0xB80;
	[sflag:s31] =	ssyncset.done $0x0  }
.Ltmp0:
0x87: {  	[sflag:s31] =	ssyncadd.s32 $0xFFFFCE00;
	(pc) =	sbr.rel @p0 .LBB2_2-.Ltmp0, $4  }
0x88: {  	[spmem:s2] =	stream.indirect.scatter.add.f32 [tilespmem:s26], [sflag:$0x7], $0x80, s9, s23, $0xb8;
	[tilespmem:$0x1AC00] =	vst v63  }
0x89: {  	_ =	swait.ge [sflag:s18], $0x3200  }
0x8a: {  	s11 =	sadd.s32 $0x80, s11;
	[sflag:s18] =	ssyncset.done $0x0;
	s8 =	rddreg [dreg:$0x4]  }
0x8b: {  	s12 =	sadd.s32 $0x400, s12;
	[sflag:s18] =	ssyncadd.s32 $0xFFFFCE00;
	s13 =	sadd.s32 s13, s8  }
0x8c: {  	[tilespmem:s21], [sflag:$0x4] =	stream.linear.gather [hbm4b:s13+s3], $0x100, $0x38;
	[tilespmem:$0x1AC00] =	vst v63  }
0x8d: {  	_ =	swait.ge [sflag:s25], $0x100  }
0x8e: {  	[sflag:s25] =	ssyncset.done $0x0  }
0x8f: {  	[sflag:s25] =	ssyncadd.s32 $0xFFFFFF00  }
0x90: {  	[tilespmem:s26], [sflag:$0x6] =	stream.indirect.gather [hbm4b:s5+s23], $0x80, s19, s23, $0xb8;
	[tilespmem:$0x1AC00] =	vst v63  }
0x91: {  	_ =	swait.ge [sflag:s28], $0x3200  }
0x92: {  	[sflag:s28] =	ssyncset.done $0x0  }
0x93: {  	[sflag:s28] =	ssyncadd.s32 $0xFFFFCE00  }
0x94: {  	[spmem:s2] =	stream.indirect.scatter.add.f32 [tilespmem:s24], [sflag:$0x7], $0x80, s29, s23, $0xb8;
	[tilespmem:$0x1AC00] =	vst v63  }
0x95: {  	_ =	swait.ge [sflag:s18], $0x3200  }
0x96: {  	[sflag:s18] =	ssyncset.done $0x0  }
0x97: {  	[sflag:s18] =	ssyncadd.s32 $0xFFFFCE00  }
0x98: {  	_ =	swait.ge [sflag:s30], $0x100  }
0x99: {  	[sflag:s30] =	ssyncset.done $0x0  }
0x9a: {  	[sflag:s30] =	ssyncadd.s32 $0xFFFFFF00  }
0x9b: {  	[tilespmem:s24], [sflag:$0x5] =	stream.indirect.gather [hbm4b:s5+s23], $0x80, s20, s23, $0xb8;
	[tilespmem:$0x1AC00] =	vst v63  }
0x9c: {  	_ =	swait.ge [sflag:s31], $0x3200  }
0x9d: {  	[sflag:s31] =	ssyncset.done $0x0  }
0x9e: {  	[sflag:s31] =	ssyncadd.s32 $0xFFFFCE00  }
0x9f: {  	[spmem:s2] =	stream.indirect.scatter.add.f32 [tilespmem:s26], [sflag:$0x7], $0x80, s0, s23, $0xb8;
	[tilespmem:$0x1AC00] =	vst v63  }
0xa0: {  	_ =	swait.ge [sflag:s18], $0x3200  }
0xa1: {  	[sflag:s18] =	ssyncset.done $0x0  }
0xa2: {  	[sflag:s18] =	ssyncadd.s32 $0xFFFFCE00  }
0xa3: {  	_ =	swait.ge [sflag:s4], $0x100  }
0xa4: {  	[sflag:s4] =	ssyncset.done $0x0  }
0xa5: {  	[sflag:s4] =	ssyncadd.s32 $0xFFFFFF00  }
0xa6: {  	[tilespmem:s26], [sflag:$0x6] =	stream.indirect.gather [hbm4b:s5+s23], $0x80, s21, s23, $0xb8;
	[tilespmem:$0x1AC00] =	vst v63  }
0xa7: {  	_ =	swait.ge [sflag:s28], $0x3200  }
0xa8: {  	[sflag:s28] =	ssyncset.done $0x0  }
0xa9: {  	[sflag:s28] =	ssyncadd.s32 $0xFFFFCE00  }
0xaa: {  	[spmem:s2] =	stream.indirect.scatter.add.f32 [tilespmem:s24], [sflag:$0x7], $0x80, s6, s23, $0xb8;
	[tilespmem:$0x1AC00] =	vst v63  }
0xab: {  	_ =	swait.ge [sflag:s18], $0x3200  }
0xac: {  	[sflag:s18] =	ssyncset.done $0x0  }
0xad: {  	[sflag:s18] =	ssyncadd.s32 $0xFFFFCE00  }
0xae: {  	_ =	swait.ge [sflag:s31], $0x3200  }
0xaf: {  	[sflag:s31] =	ssyncset.done $0x0  }
0xb0: {  	[sflag:s31] =	ssyncadd.s32 $0xFFFFCE00  }
0xb1: {  	[spmem:s2] =	stream.indirect.scatter.add.f32 [tilespmem:s26], [sflag:$0x7], $0x80, s9, s23, $0xb8;
	[tilespmem:$0x1AC00] =	vst v63  }
0xb2: {  	_ =	swait.ge [sflag:s18], $0x3200  }
0xb3: {  	[sflag:s18] =	ssyncset.done $0x0  }
0xb4: {  	[sflag:s18] =	ssyncadd.s32 $0xFFFFCE00  }
0xb5: {  	[bflag:$0x0] =	sbarrier.arrive $0xFFFF  }
0xb6: {  	s8 =	rddreg [dreg:$0xb]  }
0xb7: {  	[hbm:s8], [sflag:s7] =	dma.local [spmem:s17], $0x2800  }
0xb8: {  	_ =	swait.ge [sflag:s18], $0x2800  }
0xb9: {  	s10 =	sadd.s32 $0x1, s10;
	s13 =	rddreg [dreg:$0xa]  }
0xba: {  	p0 =	sne.s32 s10, s13  }
.Ltmp1:
0xbb: {  	_ = 	snop;
	(pc) =	sbr.rel @p0 .LBB2_1-.Ltmp1, $3  }
0xbc: {  	_ =	sdelay $0x1  }
0xbd: {  	[sflag:s18] =	ssyncset.done $0x0  }
0xbe: {  	[sflag:s18] =	ssyncadd.s32 $0xFFFFD800  }
0xbf: {  	_ =	sfence.sel $0x180000  }
0xc0: {  	[bflag:$0x0] =	sbarrier.arrive $0xFFFF  }
0xc1: {  	_ =	strace $0x9000004A  }
0xc2: {  	s0 =	stileid.u32;
	[bflag:$0x2] =	sbarrier.arrive $0xFFFF  }
0xc3: {  	p0 =	sne.s32 s0, $0x0;
	s0 =	rddreg [dreg:$0x3]  }
0xc4: {  	s0 =	sadd.s32 @!p0 $0x100000, s0  }
0xc5: {  	[sflag:s0] =	ssyncadd.tile.s32 @!p0 $0x1;
	_ =	shalt  }
.Lfunc_end2:
_tile_overlayer_lowered:
.L_overlay_start_2:
0xc6: {  	(tag) =	ssettag $0x2  }
0xc7: {  	s0 =	rddreg [dreg:$0x0];
	s2 =	stileid.u32  }
0xc8: {  	s1 =	rddreg [dreg:$0x1];
	p0 =	sne.s32 s2, $0x0  }
0xc9: {  	s3 =	rddreg [dreg:$0x2];
	[bflag:$0x3] =	sbarrier.arrive $0xFFFF;
	s2 =	simm.s32 @!p0 $0x1C07  }
0xca: {  	[timem:s3], [sflag:s2] =	dma.local @!p0 [hbm:s0], s1  }
0xcb: {  	s0 =	simm.s32 @!p0 $0x7  }
0xcc: {  	_ =	swait.ge @!p0 [sflag:s0], s1  }
0xcd: {  	s1 =	ssub.s32 @!p0 $0x0, s1;
	[sflag:s0] =	ssyncset.done @!p0 $0x0  }
0xce: {  	[sflag:s0] =	ssyncadd.s32 @!p0 s1  }
0xcf: {  	[bflag:$0x3] =	sbarrier.arrive $0xFFFF  }
0xd0: {  	_ =	shalt  }

</sc_bundles>
